<compile_context>
chip_gen: v7x
topology: tpu7x:2x2x1
jax: 0.10.2.dev20260603
libtpu: 0.0.44.dev20260713+nightly
codegen_flags: <defaults>
</compile_context>

<pallas_src>
import functools

import jax
import jax.numpy as jnp
from jax import lax
from jax.experimental import pallas as pl
from jax.experimental.pallas import tpu as pltpu
from jax.experimental.pallas import tpu_sc as plsc

NC = 2
NS = 16
NW = NC * NS
CH = 125

N = 10000
S = 24
F = 32
N_T = N + 16
N_A = 10240
ZROWS = N_A // NS

_HI = jax.lax.Precision.HIGHEST


def _make_sc_agg(K):
    mesh = plsc.VectorSubcoreMesh(core_axis_name="c", subcore_axis_name="s")

    @functools.partial(
        pl.kernel,
        out_type=jax.ShapeDtypeStruct((NC * N_A, F), jnp.float32),
        mesh=mesh,
        compiler_params=pltpu.CompilerParams(use_tc_tiling_on_sc=False),
        scratch_types=[
            pltpu.VMEM((K, CH), jnp.int32),
            pltpu.VMEM((K, CH), jnp.int32),
            pltpu.VMEM((CH, F), jnp.float32),
            pltpu.VMEM((CH, F), jnp.float32),
            pltpu.VMEM((CH, F), jnp.float32),
            pltpu.VMEM((CH, F), jnp.float32),
            pltpu.VMEM((ZROWS, F), jnp.float32),
            pltpu.VMEM_SHARED((N_A, F), jnp.float32),
            pltpu.SemaphoreType.DMA,
            pltpu.SemaphoreType.DMA,
            pltpu.SemaphoreType.DMA,
            pltpu.SemaphoreType.DMA,
            pltpu.SemaphoreType.DMA,
            pltpu.SemaphoreType.DMA,
            pltpu.SemaphoreType.DMA,
            pltpu.SemaphoreType.DMA,
        ],
    )
    def sc_agg(edges_hbm, table_hbm, out_hbm,
               src_v, dst_v, rows_a, rows_b, rows_c, rows_d, stage_v, acc_sh,
               ga, gb, gc, gd, sa, sb, sc, sd):
        cid = lax.axis_index("c")
        sid = lax.axis_index("s")
        wid = sid * NC + cid

        z16 = jnp.zeros((16,), jnp.float32)

        def _zrow(i, carry):
            stage_v[i, pl.ds(0, 16)] = z16
            stage_v[i, pl.ds(F - 16, 16)] = z16
            return carry

        lax.fori_loop(0, ZROWS, _zrow, 0)
        pltpu.sync_copy(stage_v, acc_sh.at[pl.ds(sid * ZROWS, ZROWS)])

        pltpu.sync_copy(edges_hbm.at[0, pl.ds(wid * K, K)], src_v)
        pltpu.sync_copy(edges_hbm.at[1, pl.ds(wid * K, K)], dst_v)

        plsc.subcore_barrier()

        bufs = (rows_a, rows_b, rows_c, rows_d)
        gsems = (ga, gb, gc, gd)
        ssems = (sa, sb, sc, sd)

        def _gather(j, i):
            pltpu.async_copy(table_hbm.at[src_v.at[j]], bufs[i], gsems[i])

        def _wait_gather(j, i):
            pltpu.make_async_copy(
                table_hbm.at[src_v.at[j]], bufs[i], gsems[i]).wait()

        def _scatter(j, i):
            pltpu.async_copy(bufs[i], acc_sh.at[dst_v.at[j]], ssems[i],
                             add=True)

        def _wait_scatter(j, i):
            pltpu.make_async_copy(
                bufs[i], acc_sh.at[dst_v.at[j]], ssems[i]).wait()

        for i in range(4):
            _gather(i, i)

        def _quad(qq, carry):
            j = 4 * qq
            for i in range(4):
                _wait_gather(j + i, i)
                _scatter(j + i, i)
                _wait_scatter(j + i, i)
                _gather(j + 4 + i, i)
            return carry

        lax.fori_loop(0, K // 4 - 1, _quad, 0)
        for i in range(4):
            _wait_gather(K - 4 + i, i)
            _scatter(K - 4 + i, i)
            _wait_scatter(K - 4 + i, i)

        plsc.subcore_barrier()

        pltpu.sync_copy(acc_sh.at[pl.ds(sid * ZROWS, ZROWS)], stage_v)
        pltpu.sync_copy(stage_v, out_hbm.at[pl.ds(cid * N_A + sid * ZROWS, ZROWS)])

    return sc_agg


def _tbl_body(x_ref, tbl_ref):
    x0 = x_ref[0]
    eye = jnp.eye(S, dtype=jnp.float32)
    xt = lax.dot_general(x0, eye, (((0,), (0,)), ((), ())), precision=_HI)
    tbl = jnp.concatenate(
        [xt, jnp.ones((N, 1), jnp.float32),
         jnp.zeros((N, F - S - 1), jnp.float32)], axis=1)
    tbl = jnp.concatenate(
        [tbl, jnp.zeros((N_T - N, F), jnp.float32)], axis=0)
    tbl_ref[...] = tbl


def _fin_rest_body(x_ref, wr_ref, bl_ref, out_ref):
    out_ref[0] = x_ref[0] * wr_ref[0, 0] + bl_ref[0]


def _fin_b0_body(rest_ref, parts_ref, wl_ref, out_ref):
    p = parts_ref[...]
    comb = p[0:N, :] + p[N_A:N_A + N, :]
    mean_nf = comb[:, 0:S] / jnp.maximum(comb[:, S:S + 1], 1.0)
    eye = jnp.eye(S, dtype=jnp.float32)
    mean_t = lax.dot_general(
        eye, mean_nf, (((1,), (1,)), ((), ())), precision=_HI)
    out_ref[0] = rest_ref[0] + wl_ref[0, 0] * mean_t


def kernel(x, edge_index, W_l, W_r, b_l):
    B, S_, N_ = x.shape
    E = edge_index.shape[1]
    assert E % (NW * CH) == 0
    K = E // (NW * CH)

    table = pl.pallas_call(
        _tbl_body,
        grid=(1,),
        in_specs=[pl.BlockSpec((1, S_, N_), lambda i: (0, 0, 0))],
        out_specs=pl.BlockSpec((N_T, F), lambda i: (0, 0)),
        out_shape=jax.ShapeDtypeStruct((N_T, F), jnp.float32),
    )(x)

    edges = edge_index.reshape(2, NW * K, CH)
    parts = _make_sc_agg(K)(edges, table)

    rest = pl.pallas_call(
        _fin_rest_body,
        grid=(B,),
        in_specs=[
            pl.BlockSpec((1, S_, N_), lambda b: (b, 0, 0)),
            pl.BlockSpec(memory_space=pltpu.SMEM),
            pl.BlockSpec(memory_space=pltpu.SMEM),
        ],
        out_specs=pl.BlockSpec((1, S_, N_), lambda b: (b, 0, 0)),
        out_shape=jax.ShapeDtypeStruct((B, S_, N_), jnp.float32),
    )(x, W_r, b_l)

    out = pl.pallas_call(
        _fin_b0_body,
        grid=(1,),
        in_specs=[
            pl.BlockSpec((1, S_, N_), lambda i: (0, 0, 0)),
            pl.BlockSpec((NC * N_A, F), lambda i: (0, 0)),
            pl.BlockSpec(memory_space=pltpu.SMEM),
        ],
        out_specs=pl.BlockSpec((1, S_, N_), lambda i: (0, 0, 0)),
        out_shape=jax.ShapeDtypeStruct((B, S_, N_), jnp.float32),
        input_output_aliases={0: 0},
    )(rest, parts, W_l)
    return out

# --- scband reference (transcript-rebuilt; emitter-appended) ---
"""Pipeline reference for scband-graph-sage-time-series-19473381720074 (READ-ONLY COPY).

The authoritative reference and input builder live on the scoring server;
editing this copy changes nothing except your own understanding.
"""

import jax, jax.numpy as jnp
import numpy as np

BATCH, SEQLEN, NUM_NODES, NUM_EDGES = 16, 24, 10000, 320000


def setup_inputs(seed: int = 0) -> dict:
    key = jax.random.key(seed)
    k1, k2, k3, k4 = jax.random.split(key, 4)
    x = jax.random.normal(k1, (BATCH, SEQLEN, NUM_NODES), dtype=jnp.float32)
    # edge_index derived from adj_matrix in the torch module; materialized directly here.
    # int32 used to avoid requiring jax x64 mode; values are < NUM_NODES either way.
    edge_index = jax.random.randint(k2, (2, NUM_EDGES), 0, NUM_NODES, dtype=jnp.int32)
    # SAGEConv(in_channels=1, out_channels=1) params: lin_l (with bias) applied to the
    # mean-aggregated neighbors, lin_r (no bias) applied to the root features.
    W_l = jax.random.normal(k3, (1, 1), dtype=jnp.float32) * 0.5
    W_r = jax.random.normal(k4, (1, 1), dtype=jnp.float32) * 0.5
    b_l = jnp.zeros((1,), dtype=jnp.float32)
    return {"x": x, "edge_index": edge_index, "W_l": W_l, "W_r": W_r, "b_l": b_l}


def _sage_step(xt, src, dst, W_l, W_r, b_l):
    # xt: [B*N, 1]. Faithful to the original: edge indices only address the first
    # NUM_NODES rows of the flattened (batch*num_nodes) node tensor, as in the torch code.
    num = xt.shape[0]
    msgs = jnp.take(xt, src, axis=0)
    agg = jax.ops.segment_sum(msgs, dst, num_segments=num)
    cnt = jax.ops.segment_sum(jnp.ones((src.shape[0], 1), dtype=xt.dtype), dst, num_segments=num)
    mean = agg / jnp.maximum(cnt, 1.0)
    return mean @ W_l.T + b_l + xt @ W_r.T


def reference(x, edge_index, W_l, W_r, b_l):
    B, S, N = x.shape
    src, dst = edge_index[0], edge_index[1]
    # original loops over seqlen applying the same SAGEConv per timestep; vmap over t is
    # mathematically identical.
    xs = jnp.transpose(x, (1, 0, 2)).reshape(S, B * N, 1)
    out = jax.vmap(lambda xt: _sage_step(xt, src, dst, W_l, W_r, b_l))(xs)
    out = out.reshape(S, B, N)
    return jnp.transpose(out, (1, 0, 2))

if __name__ == "__main__":
    import jax
    _d = setup_inputs()
    print(jax.jit(kernel)(*tuple(_d.values())))

</pallas_src>

<mosaic_0001>
#map = affine_map<(d0, d1) -> (0, 0, 0)>
#map1 = affine_map<(d0, d1) -> (0, 0)>
module attributes {stable_mosaic.version = 14 : i64} {
  func.func @sc_agg(%arg0: i32, %arg1: i32, %arg2: memref<2x2560x125xi32, #tpu.memory_space<hbm>>, %arg3: memref<10016x32xf32, #tpu.memory_space<hbm>>, %arg4: memref<20480x32xf32, #tpu.memory_space<hbm>>, %arg5: memref<80x125xi32, #tpu.memory_space<vmem>>, %arg6: memref<80x125xi32, #tpu.memory_space<vmem>>, %arg7: memref<125x32xf32, #tpu.memory_space<vmem>>, %arg8: memref<125x32xf32, #tpu.memory_space<vmem>>, %arg9: memref<125x32xf32, #tpu.memory_space<vmem>>, %arg10: memref<125x32xf32, #tpu.memory_space<vmem>>, %arg11: memref<640x32xf32, #tpu.memory_space<vmem>>, %arg12: memref<10240x32xf32, #tpu.memory_space<vmem_shared>>, %arg13: memref<!tpu.dma_semaphore, #tpu.memory_space<semaphore_mem>>, %arg14: memref<!tpu.dma_semaphore, #tpu.memory_space<semaphore_mem>>, %arg15: memref<!tpu.dma_semaphore, #tpu.memory_space<semaphore_mem>>, %arg16: memref<!tpu.dma_semaphore, #tpu.memory_space<semaphore_mem>>, %arg17: memref<!tpu.dma_semaphore, #tpu.memory_space<semaphore_mem>>, %arg18: memref<!tpu.dma_semaphore, #tpu.memory_space<semaphore_mem>>, %arg19: memref<!tpu.dma_semaphore, #tpu.memory_space<semaphore_mem>>, %arg20: memref<!tpu.dma_semaphore, #tpu.memory_space<semaphore_mem>>) attributes {dimension_semantics = [#tpu.dimension_semantics<core_parallel>, #tpu.dimension_semantics<subcore_parallel>], iteration_bounds = array<i64: 2, 16>, scalar_prefetch = 0 : i64, scratch_operands = 16 : i64, tpu.core_type = #tpu.core_type<sc_vector_subcore>, window_params = [{transform_indices = #map}, {transform_indices = #map1}, {transform_indices = #map1}]} {
    %mul3A = arith.constant 2 : i32
    %mul3A_0 = arith.muli %arg1, %mul3A : i32
    %add3A = arith.addi %mul3A_0, %arg0 : i32
    %broadcast_in_dim3A = arith.constant 0.000000e+00 : f32
    %broadcast_in_dim3A_1 = vector.broadcast %broadcast_in_dim3A : f32 to vector<16xf32>
    %scan3A = arith.constant 0 : i32
    %scan3A_2 = arith.constant 0 : i32
    %scan3A_3 = arith.constant 640 : i32
    %scan3A_4 = arith.addi %scan3A_2, %scan3A_3 : i32
    %scan3A_5 = arith.constant 1 : i32
    scf.for %scan3A_138 = %scan3A_2 to %scan3A_4 step %scan3A_5  : i32 {
      %swap3A = arith.index_cast %scan3A_138 : i32 to index
      %swap3A_139 = arith.constant 0 : index
      %swap3A_140 = tpu.vector_load %arg11[%swap3A, %swap3A_139] {strides = array<i32>} : memref<640x32xf32, #tpu.memory_space<vmem>>, vector<1x16xf32>,
      %swap3A_141 = vector.shape_cast %swap3A_140 : vector<1x16xf32> to vector<16xf32>
      %swap3A_142 = vector.shape_cast %broadcast_in_dim3A_1 : vector<16xf32> to vector<1x16xf32>
      tpu.vector_store %arg11[%swap3A, %swap3A_139], %swap3A_142 {strides = array<i32>} : memref<640x32xf32, #tpu.memory_space<vmem>>, vector<1x16xf32>,
      %swap3A_143 = arith.index_cast %scan3A_138 : i32 to index
      %swap3A_144 = arith.constant 16 : index
      %swap3A_145 = tpu.vector_load %arg11[%swap3A_143, %swap3A_144] {strides = array<i32>} : memref<640x32xf32, #tpu.memory_space<vmem>>, vector<1x16xf32>,
      %swap3A_146 = vector.shape_cast %swap3A_145 : vector<1x16xf32> to vector<16xf32>
      %swap3A_147 = vector.shape_cast %broadcast_in_dim3A_1 : vector<16xf32> to vector<1x16xf32>
      tpu.vector_store %arg11[%swap3A_143, %swap3A_144], %swap3A_147 {strides = array<i32>} : memref<640x32xf32, #tpu.memory_space<vmem>>, vector<1x16xf32>,
    }
    %scan3A_6 = arith.constant 640 : i32
    %mul3A_7 = arith.constant 640 : i32
    %mul3A_8 = arith.muli %arg1, %mul3A_7 : i32
    "tpu.region"() ({
      %run_scoped3A_138 = tpu.sem_alloc : memref<!tpu.dma_semaphore, #tpu.memory_space<semaphore_mem>>
      %dma_start3A_139 = arith.constant 0 : i32
      %dma_start3A_140 = tpu.memref_slice %arg12[%mul3A_8, %dma_start3A_139] : memref<10240x32xf32, #tpu.memory_space<vmem_shared>> -> memref<640x32xf32, #tpu.memory_space<vmem_shared>>
      %dma_start3A_141 = arith.constant 0 : i32
      %dma_start3A_142 = tpu.memref_slice %arg12[%mul3A_8, %dma_start3A_141] : memref<10240x32xf32, #tpu.memory_space<vmem_shared>> -> memref<640x32xf32, #tpu.memory_space<vmem_shared>>
      tpu.enqueue_dma source(%arg11 : memref<640x32xf32, #tpu.memory_space<vmem>>) target(%dma_start3A_142 : memref<640x32xf32, #tpu.memory_space<vmem_shared>>) target_semaphore(%run_scoped3A_138 : memref<!tpu.dma_semaphore, #tpu.memory_space<semaphore_mem>>)
      %dma_wait3A_143 = arith.constant 0 : i32
      %dma_wait3A_144 = tpu.memref_slice %arg12[%mul3A_8, %dma_wait3A_143] : memref<10240x32xf32, #tpu.memory_space<vmem_shared>> -> memref<640x32xf32, #tpu.memory_space<vmem_shared>>
      %dma_wait3A_145 = arith.constant 0 : i32
      %dma_wait3A_146 = tpu.memref_slice %arg12[%mul3A_8, %dma_wait3A_145] : memref<10240x32xf32, #tpu.memory_space<vmem_shared>> -> memref<640x32xf32, #tpu.memory_space<vmem_shared>>
      tpu.wait_dma2 semaphore(%run_scoped3A_138 : memref<!tpu.dma_semaphore, #tpu.memory_space<semaphore_mem>>) src(%arg11 : memref<640x32xf32, #tpu.memory_space<vmem>>) dst(%dma_wait3A_146 : memref<640x32xf32, #tpu.memory_space<vmem_shared>>)
      tpu.yield
    }) : () -> ()
    %mul3A_9 = arith.constant 80 : i32
    %mul3A_10 = arith.muli %add3A, %mul3A_9 : i32
    %run_scoped3A = arith.constant 0 : i32
    "tpu.region"() ({
      %run_scoped3A_138 = tpu.sem_alloc : memref<!tpu.dma_semaphore, #tpu.memory_space<semaphore_mem>>
      %dma_start3A_139 = arith.constant 0 : i32
      %dma_start3A_140 = tpu.memref_slice %arg2[%run_scoped3A, %mul3A_10, %dma_start3A_139] : memref<2x2560x125xi32, #tpu.memory_space<hbm>> -> memref<1x80x125xi32, #tpu.memory_space<hbm>>
      %dma_start3A_141 = tpu.memref_squeeze %dma_start3A_140 : memref<1x80x125xi32, #tpu.memory_space<hbm>> -> memref<80x125xi32, #tpu.memory_space<hbm>>
      %dma_start3A_142 = arith.constant 0 : i32
      %dma_start3A_143 = tpu.memref_slice %arg2[%run_scoped3A, %mul3A_10, %dma_start3A_142] : memref<2x2560x125xi32, #tpu.memory_space<hbm>> -> memref<1x80x125xi32, #tpu.memory_space<hbm>>
      %dma_start3A_144 = tpu.memref_squeeze %dma_start3A_143 : memref<1x80x125xi32, #tpu.memory_space<hbm>> -> memref<80x125xi32, #tpu.memory_space<hbm>>
      tpu.enqueue_dma source(%dma_start3A_144 : memref<80x125xi32, #tpu.memory_space<hbm>>) target(%arg5 : memref<80x125xi32, #tpu.memory_space<vmem>>) target_semaphore(%run_scoped3A_138 : memref<!tpu.dma_semaphore, #tpu.memory_space<semaphore_mem>>)
      %dma_wait3A_145 = arith.constant 0 : i32
      %dma_wait3A_146 = tpu.memref_slice %arg2[%run_scoped3A, %mul3A_10, %dma_wait3A_145] : memref<2x2560x125xi32, #tpu.memory_space<hbm>> -> memref<1x80x125xi32, #tpu.memory_space<hbm>>
      %dma_wait3A_147 = tpu.memref_squeeze %dma_wait3A_146 : memref<1x80x125xi32, #tpu.memory_space<hbm>> -> memref<80x125xi32, #tpu.memory_space<hbm>>
      %dma_wait3A_148 = arith.constant 0 : i32
      %dma_wait3A_149 = tpu.memref_slice %arg2[%run_scoped3A, %mul3A_10, %dma_wait3A_148] : memref<2x2560x125xi32, #tpu.memory_space<hbm>> -> memref<1x80x125xi32, #tpu.memory_space<hbm>>
      %dma_wait3A_150 = tpu.memref_squeeze %dma_wait3A_149 : memref<1x80x125xi32, #tpu.memory_space<hbm>> -> memref<80x125xi32, #tpu.memory_space<hbm>>
      tpu.wait_dma2 semaphore(%run_scoped3A_138 : memref<!tpu.dma_semaphore, #tpu.memory_space<semaphore_mem>>) src(%dma_wait3A_150 : memref<80x125xi32, #tpu.memory_space<hbm>>) dst(%arg5 : memref<80x125xi32, #tpu.memory_space<vmem>>)
      tpu.yield
    }) : () -> ()
    %mul3A_11 = arith.constant 80 : i32
    %mul3A_12 = arith.muli %add3A, %mul3A_11 : i32
    %run_scoped3A_13 = arith.constant 1 : i32
    "tpu.region"() ({
      %run_scoped3A_138 = tpu.sem_alloc : memref<!tpu.dma_semaphore, #tpu.memory_space<semaphore_mem>>
      %dma_start3A_139 = arith.constant 0 : i32
      %dma_start3A_140 = tpu.memref_slice %arg2[%run_scoped3A_13, %mul3A_12, %dma_start3A_139] : memref<2x2560x125xi32, #tpu.memory_space<hbm>> -> memref<1x80x125xi32, #tpu.memory_space<hbm>>
      %dma_start3A_141 = tpu.memref_squeeze %dma_start3A_140 : memref<1x80x125xi32, #tpu.memory_space<hbm>> -> memref<80x125xi32, #tpu.memory_space<hbm>>
      %dma_start3A_142 = arith.constant 0 : i32
      %dma_start3A_143 = tpu.memref_slice %arg2[%run_scoped3A_13, %mul3A_12, %dma_start3A_142] : memref<2x2560x125xi32, #tpu.memory_space<hbm>> -> memref<1x80x125xi32, #tpu.memory_space<hbm>>
      %dma_start3A_144 = tpu.memref_squeeze %dma_start3A_143 : memref<1x80x125xi32, #tpu.memory_space<hbm>> -> memref<80x125xi32, #tpu.memory_space<hbm>>
      tpu.enqueue_dma source(%dma_start3A_144 : memref<80x125xi32, #tpu.memory_space<hbm>>) target(%arg6 : memref<80x125xi32, #tpu.memory_space<vmem>>) target_semaphore(%run_scoped3A_138 : memref<!tpu.dma_semaphore, #tpu.memory_space<semaphore_mem>>)
      %dma_wait3A_145 = arith.constant 0 : i32
      %dma_wait3A_146 = tpu.memref_slice %arg2[%run_scoped3A_13, %mul3A_12, %dma_wait3A_145] : memref<2x2560x125xi32, #tpu.memory_space<hbm>> -> memref<1x80x125xi32, #tpu.memory_space<hbm>>
      %dma_wait3A_147 = tpu.memref_squeeze %dma_wait3A_146 : memref<1x80x125xi32, #tpu.memory_space<hbm>> -> memref<80x125xi32, #tpu.memory_space<hbm>>
      %dma_wait3A_148 = arith.constant 0 : i32
      %dma_wait3A_149 = tpu.memref_slice %arg2[%run_scoped3A_13, %mul3A_12, %dma_wait3A_148] : memref<2x2560x125xi32, #tpu.memory_space<hbm>> -> memref<1x80x125xi32, #tpu.memory_space<hbm>>
      %dma_wait3A_150 = tpu.memref_squeeze %dma_wait3A_149 : memref<1x80x125xi32, #tpu.memory_space<hbm>> -> memref<80x125xi32, #tpu.memory_space<hbm>>
      tpu.wait_dma2 semaphore(%run_scoped3A_138 : memref<!tpu.dma_semaphore, #tpu.memory_space<semaphore_mem>>) src(%dma_wait3A_150 : memref<80x125xi32, #tpu.memory_space<hbm>>) dst(%arg6 : memref<80x125xi32, #tpu.memory_space<vmem>>)
      tpu.yield
    }) : () -> ()
    %barrier3A = arith.constant 0 : index
    tpu.barrier barrier_id(%barrier3A)
    %dma_start3A = arith.constant 0 : i32
    %dma_start3A_14 = arith.constant 0 : i32
    %dma_start3A_15 = tpu.memref_slice %arg5[%dma_start3A, %dma_start3A_14] : memref<80x125xi32, #tpu.memory_space<vmem>> -> memref<1x125xi32, #tpu.memory_space<vmem>>
    %dma_start3A_16 = tpu.memref_squeeze %dma_start3A_15 : memref<1x125xi32, #tpu.memory_space<vmem>> -> memref<125xi32, #tpu.memory_space<vmem>>
    %dma_start3A_17 = arith.constant 0 : i32
    %dma_start3A_18 = arith.constant 0 : i32
    %dma_start3A_19 = tpu.memref_slice %arg3[%dma_start3A_17, %dma_start3A_18] : memref<10016x32xf32, #tpu.memory_space<hbm>> -> memref<10016x32xf32, #tpu.memory_space<hbm>>
    tpu.enqueue_indirect_dma source(%dma_start3A_19 : memref<10016x32xf32, #tpu.memory_space<hbm>>) target(%arg7 : memref<125x32xf32, #tpu.memory_space<vmem>>) offsets(%dma_start3A_16 : memref<125xi32, #tpu.memory_space<vmem>>) semaphore(%arg13 : memref<!tpu.dma_semaphore, #tpu.memory_space<semaphore_mem>>)
    %dma_start3A_20 = arith.constant 1 : i32
    %dma_start3A_21 = arith.constant 0 : i32
    %dma_start3A_22 = tpu.memref_slice %arg5[%dma_start3A_20, %dma_start3A_21] : memref<80x125xi32, #tpu.memory_space<vmem>> -> memref<1x125xi32, #tpu.memory_space<vmem>>
    %dma_start3A_23 = tpu.memref_squeeze %dma_start3A_22 : memref<1x125xi32, #tpu.memory_space<vmem>> -> memref<125xi32, #tpu.memory_space<vmem>>
    %dma_start3A_24 = arith.constant 0 : i32
    %dma_start3A_25 = arith.constant 0 : i32
    %dma_start3A_26 = tpu.memref_slice %arg3[%dma_start3A_24, %dma_start3A_25] : memref<10016x32xf32, #tpu.memory_space<hbm>> -> memref<10016x32xf32, #tpu.memory_space<hbm>>
    tpu.enqueue_indirect_dma source(%dma_start3A_26 : memref<10016x32xf32, #tpu.memory_space<hbm>>) target(%arg8 : memref<125x32xf32, #tpu.memory_space<vmem>>) offsets(%dma_start3A_23 : memref<125xi32, #tpu.memory_space<vmem>>) semaphore(%arg14 : memref<!tpu.dma_semaphore, #tpu.memory_space<semaphore_mem>>)
    %dma_start3A_27 = arith.constant 2 : i32
    %dma_start3A_28 = arith.constant 0 : i32
    %dma_start3A_29 = tpu.memref_slice %arg5[%dma_start3A_27, %dma_start3A_28] : memref<80x125xi32, #tpu.memory_space<vmem>> -> memref<1x125xi32, #tpu.memory_space<vmem>>
    %dma_start3A_30 = tpu.memref_squeeze %dma_start3A_29 : memref<1x125xi32, #tpu.memory_space<vmem>> -> memref<125xi32, #tpu.memory_space<vmem>>
    %dma_start3A_31 = arith.constant 0 : i32
    %dma_start3A_32 = arith.constant 0 : i32
    %dma_start3A_33 = tpu.memref_slice %arg3[%dma_start3A_31, %dma_start3A_32] : memref<10016x32xf32, #tpu.memory_space<hbm>> -> memref<10016x32xf32, #tpu.memory_space<hbm>>
    tpu.enqueue_indirect_dma source(%dma_start3A_33 : memref<10016x32xf32, #tpu.memory_space<hbm>>) target(%arg9 : memref<125x32xf32, #tpu.memory_space<vmem>>) offsets(%dma_start3A_30 : memref<125xi32, #tpu.memory_space<vmem>>) semaphore(%arg15 : memref<!tpu.dma_semaphore, #tpu.memory_space<semaphore_mem>>)
    %dma_start3A_34 = arith.constant 3 : i32
    %dma_start3A_35 = arith.constant 0 : i32
    %dma_start3A_36 = tpu.memref_slice %arg5[%dma_start3A_34, %dma_start3A_35] : memref<80x125xi32, #tpu.memory_space<vmem>> -> memref<1x125xi32, #tpu.memory_space<vmem>>
    %dma_start3A_37 = tpu.memref_squeeze %dma_start3A_36 : memref<1x125xi32, #tpu.memory_space<vmem>> -> memref<125xi32, #tpu.memory_space<vmem>>
    %dma_start3A_38 = arith.constant 0 : i32
    %dma_start3A_39 = arith.constant 0 : i32
    %dma_start3A_40 = tpu.memref_slice %arg3[%dma_start3A_38, %dma_start3A_39] : memref<10016x32xf32, #tpu.memory_space<hbm>> -> memref<10016x32xf32, #tpu.memory_space<hbm>>
    tpu.enqueue_indirect_dma source(%dma_start3A_40 : memref<10016x32xf32, #tpu.memory_space<hbm>>) target(%arg10 : memref<125x32xf32, #tpu.memory_space<vmem>>) offsets(%dma_start3A_37 : memref<125xi32, #tpu.memory_space<vmem>>) semaphore(%arg16 : memref<!tpu.dma_semaphore, #tpu.memory_space<semaphore_mem>>)
    %scan3A_41 = arith.constant 0 : i32
    %scan3A_42 = arith.constant 0 : i32
    %scan3A_43 = arith.constant 19 : i32
    %scan3A_44 = arith.addi %scan3A_42, %scan3A_43 : i32
    %scan3A_45 = arith.constant 1 : i32
    scf.for %scan3A_138 = %scan3A_42 to %scan3A_44 step %scan3A_45  : i32 {
      %mul3A_139 = arith.constant 4 : i32
      %mul3A_140 = arith.muli %mul3A_139, %scan3A_138 : i32
      %add3A_141 = arith.constant 0 : i32
      %add3A_142 = arith.addi %mul3A_140, %add3A_141 : i32
      %dma_wait3A_143 = arith.constant 0 : i32
      %dma_wait3A_144 = tpu.memref_slice %arg5[%add3A_142, %dma_wait3A_143] : memref<80x125xi32, #tpu.memory_space<vmem>> -> memref<1x125xi32, #tpu.memory_space<vmem>>
      %dma_wait3A_145 = tpu.memref_squeeze %dma_wait3A_144 : memref<1x125xi32, #tpu.memory_space<vmem>> -> memref<125xi32, #tpu.memory_space<vmem>>
      %dma_wait3A_146 = arith.constant 0 : i32
      %dma_wait3A_147 = arith.constant 0 : i32
      %dma_wait3A_148 = tpu.memref_slice %arg3[%dma_wait3A_146, %dma_wait3A_147] : memref<10016x32xf32, #tpu.memory_space<hbm>> -> memref<10016x32xf32, #tpu.memory_space<hbm>>
      tpu.wait_indirect_dma semaphore(%arg13 : memref<!tpu.dma_semaphore, #tpu.memory_space<semaphore_mem>>) src(%dma_wait3A_148 : memref<10016x32xf32, #tpu.memory_space<hbm>>) dst(%arg7 : memref<125x32xf32, #tpu.memory_space<vmem>>)
      %add3A_149 = arith.constant 0 : i32
      %add3A_150 = arith.addi %mul3A_140, %add3A_149 : i32
      %dma_start3A_151 = arith.constant 0 : i32
      %dma_start3A_152 = tpu.memref_slice %arg6[%add3A_150, %dma_start3A_151] : memref<80x125xi32, #tpu.memory_space<vmem>> -> memref<1x125xi32, #tpu.memory_space<vmem>>
      %dma_start3A_153 = tpu.memref_squeeze %dma_start3A_152 : memref<1x125xi32, #tpu.memory_space<vmem>> -> memref<125xi32, #tpu.memory_space<vmem>>
      %dma_start3A_154 = arith.constant 0 : i32
      %dma_start3A_155 = arith.constant 0 : i32
      %dma_start3A_156 = tpu.memref_slice %arg12[%dma_start3A_154, %dma_start3A_155] : memref<10240x32xf32, #tpu.memory_space<vmem_shared>> -> memref<10240x32xf32, #tpu.memory_space<vmem_shared>>
      tpu.enqueue_indirect_dma source(%arg7 : memref<125x32xf32, #tpu.memory_space<vmem>>) target(%dma_start3A_156 : memref<10240x32xf32, #tpu.memory_space<vmem_shared>>) offsets(%dma_start3A_153 : memref<125xi32, #tpu.memory_space<vmem>>) semaphore(%arg17 : memref<!tpu.dma_semaphore, #tpu.memory_space<semaphore_mem>>) {add = true}
      %add3A_157 = arith.constant 0 : i32
      %add3A_158 = arith.addi %mul3A_140, %add3A_157 : i32
      %dma_wait3A_159 = arith.constant 0 : i32
      %dma_wait3A_160 = tpu.memref_slice %arg6[%add3A_158, %dma_wait3A_159] : memref<80x125xi32, #tpu.memory_space<vmem>> -> memref<1x125xi32, #tpu.memory_space<vmem>>
      %dma_wait3A_161 = tpu.memref_squeeze %dma_wait3A_160 : memref<1x125xi32, #tpu.memory_space<vmem>> -> memref<125xi32, #tpu.memory_space<vmem>>
      %dma_wait3A_162 = arith.constant 0 : i32
      %dma_wait3A_163 = arith.constant 0 : i32
      %dma_wait3A_164 = tpu.memref_slice %arg12[%dma_wait3A_162, %dma_wait3A_163] : memref<10240x32xf32, #tpu.memory_space<vmem_shared>> -> memref<10240x32xf32, #tpu.memory_space<vmem_shared>>
      tpu.wait_indirect_dma semaphore(%arg17 : memref<!tpu.dma_semaphore, #tpu.memory_space<semaphore_mem>>) src(%arg7 : memref<125x32xf32, #tpu.memory_space<vmem>>) dst(%dma_wait3A_164 : memref<10240x32xf32, #tpu.memory_space<vmem_shared>>)
      %add3A_165 = arith.constant 4 : i32
      %add3A_166 = arith.addi %mul3A_140, %add3A_165 : i32
      %add3A_167 = arith.constant 0 : i32
      %add3A_168 = arith.addi %add3A_166, %add3A_167 : i32
      %dma_start3A_169 = arith.constant 0 : i32
      %dma_start3A_170 = tpu.memref_slice %arg5[%add3A_168, %dma_start3A_169] : memref<80x125xi32, #tpu.memory_space<vmem>> -> memref<1x125xi32, #tpu.memory_space<vmem>>
      %dma_start3A_171 = tpu.memref_squeeze %dma_start3A_170 : memref<1x125xi32, #tpu.memory_space<vmem>> -> memref<125xi32, #tpu.memory_space<vmem>>
      %dma_start3A_172 = arith.constant 0 : i32
      %dma_start3A_173 = arith.constant 0 : i32
      %dma_start3A_174 = tpu.memref_slice %arg3[%dma_start3A_172, %dma_start3A_173] : memref<10016x32xf32, #tpu.memory_space<hbm>> -> memref<10016x32xf32, #tpu.memory_space<hbm>>
      tpu.enqueue_indirect_dma source(%dma_start3A_174 : memref<10016x32xf32, #tpu.memory_space<hbm>>) target(%arg7 : memref<125x32xf32, #tpu.memory_space<vmem>>) offsets(%dma_start3A_171 : memref<125xi32, #tpu.memory_space<vmem>>) semaphore(%arg13 : memref<!tpu.dma_semaphore, #tpu.memory_space<semaphore_mem>>)
      %add3A_175 = arith.constant 1 : i32
      %add3A_176 = arith.addi %mul3A_140, %add3A_175 : i32
      %dma_wait3A_177 = arith.constant 0 : i32
      %dma_wait3A_178 = tpu.memref_slice %arg5[%add3A_176, %dma_wait3A_177] : memref<80x125xi32, #tpu.memory_space<vmem>> -> memref<1x125xi32, #tpu.memory_space<vmem>>
      %dma_wait3A_179 = tpu.memref_squeeze %dma_wait3A_178 : memref<1x125xi32, #tpu.memory_space<vmem>> -> memref<125xi32, #tpu.memory_space<vmem>>
      %dma_wait3A_180 = arith.constant 0 : i32
      %dma_wait3A_181 = arith.constant 0 : i32
      %dma_wait3A_182 = tpu.memref_slice %arg3[%dma_wait3A_180, %dma_wait3A_181] : memref<10016x32xf32, #tpu.memory_space<hbm>> -> memref<10016x32xf32, #tpu.memory_space<hbm>>
      tpu.wait_indirect_dma semaphore(%arg14 : memref<!tpu.dma_semaphore, #tpu.memory_space<semaphore_mem>>) src(%dma_wait3A_182 : memref<10016x32xf32, #tpu.memory_space<hbm>>) dst(%arg8 : memref<125x32xf32, #tpu.memory_space<vmem>>)
      %add3A_183 = arith.constant 1 : i32
      %add3A_184 = arith.addi %mul3A_140, %add3A_183 : i32
      %dma_start3A_185 = arith.constant 0 : i32
      %dma_start3A_186 = tpu.memref_slice %arg6[%add3A_184, %dma_start3A_185] : memref<80x125xi32, #tpu.memory_space<vmem>> -> memref<1x125xi32, #tpu.memory_space<vmem>>
      %dma_start3A_187 = tpu.memref_squeeze %dma_start3A_186 : memref<1x125xi32, #tpu.memory_space<vmem>> -> memref<125xi32, #tpu.memory_space<vmem>>
      %dma_start3A_188 = arith.constant 0 : i32
      %dma_start3A_189 = arith.constant 0 : i32
      %dma_start3A_190 = tpu.memref_slice %arg12[%dma_start3A_188, %dma_start3A_189] : memref<10240x32xf32, #tpu.memory_space<vmem_shared>> -> memref<10240x32xf32, #tpu.memory_space<vmem_shared>>
      tpu.enqueue_indirect_dma source(%arg8 : memref<125x32xf32, #tpu.memory_space<vmem>>) target(%dma_start3A_190 : memref<10240x32xf32, #tpu.memory_space<vmem_shared>>) offsets(%dma_start3A_187 : memref<125xi32, #tpu.memory_space<vmem>>) semaphore(%arg18 : memref<!tpu.dma_semaphore, #tpu.memory_space<semaphore_mem>>) {add = true}
      %add3A_191 = arith.constant 1 : i32
      %add3A_192 = arith.addi %mul3A_140, %add3A_191 : i32
      %dma_wait3A_193 = arith.constant 0 : i32
      %dma_wait3A_194 = tpu.memref_slice %arg6[%add3A_192, %dma_wait3A_193] : memref<80x125xi32, #tpu.memory_space<vmem>> -> memref<1x125xi32, #tpu.memory_space<vmem>>
      %dma_wait3A_195 = tpu.memref_squeeze %dma_wait3A_194 : memref<1x125xi32, #tpu.memory_space<vmem>> -> memref<125xi32, #tpu.memory_space<vmem>>
      %dma_wait3A_196 = arith.constant 0 : i32
      %dma_wait3A_197 = arith.constant 0 : i32
      %dma_wait3A_198 = tpu.memref_slice %arg12[%dma_wait3A_196, %dma_wait3A_197] : memref<10240x32xf32, #tpu.memory_space<vmem_shared>> -> memref<10240x32xf32, #tpu.memory_space<vmem_shared>>
      tpu.wait_indirect_dma semaphore(%arg18 : memref<!tpu.dma_semaphore, #tpu.memory_space<semaphore_mem>>) src(%arg8 : memref<125x32xf32, #tpu.memory_space<vmem>>) dst(%dma_wait3A_198 : memref<10240x32xf32, #tpu.memory_space<vmem_shared>>)
      %add3A_199 = arith.constant 4 : i32
      %add3A_200 = arith.addi %mul3A_140, %add3A_199 : i32
      %add3A_201 = arith.constant 1 : i32
      %add3A_202 = arith.addi %add3A_200, %add3A_201 : i32
      %dma_start3A_203 = arith.constant 0 : i32
      %dma_start3A_204 = tpu.memref_slice %arg5[%add3A_202, %dma_start3A_203] : memref<80x125xi32, #tpu.memory_space<vmem>> -> memref<1x125xi32, #tpu.memory_space<vmem>>
      %dma_start3A_205 = tpu.memref_squeeze %dma_start3A_204 : memref<1x125xi32, #tpu.memory_space<vmem>> -> memref<125xi32, #tpu.memory_space<vmem>>
      %dma_start3A_206 = arith.constant 0 : i32
      %dma_start3A_207 = arith.constant 0 : i32
      %dma_start3A_208 = tpu.memref_slice %arg3[%dma_start3A_206, %dma_start3A_207] : memref<10016x32xf32, #tpu.memory_space<hbm>> -> memref<10016x32xf32, #tpu.memory_space<hbm>>
      tpu.enqueue_indirect_dma source(%dma_start3A_208 : memref<10016x32xf32, #tpu.memory_space<hbm>>) target(%arg8 : memref<125x32xf32, #tpu.memory_space<vmem>>) offsets(%dma_start3A_205 : memref<125xi32, #tpu.memory_space<vmem>>) semaphore(%arg14 : memref<!tpu.dma_semaphore, #tpu.memory_space<semaphore_mem>>)
      %add3A_209 = arith.constant 2 : i32
      %add3A_210 = arith.addi %mul3A_140, %add3A_209 : i32
      %dma_wait3A_211 = arith.constant 0 : i32
      %dma_wait3A_212 = tpu.memref_slice %arg5[%add3A_210, %dma_wait3A_211] : memref<80x125xi32, #tpu.memory_space<vmem>> -> memref<1x125xi32, #tpu.memory_space<vmem>>
      %dma_wait3A_213 = tpu.memref_squeeze %dma_wait3A_212 : memref<1x125xi32, #tpu.memory_space<vmem>> -> memref<125xi32, #tpu.memory_space<vmem>>
      %dma_wait3A_214 = arith.constant 0 : i32
      %dma_wait3A_215 = arith.constant 0 : i32
      %dma_wait3A_216 = tpu.memref_slice %arg3[%dma_wait3A_214, %dma_wait3A_215] : memref<10016x32xf32, #tpu.memory_space<hbm>> -> memref<10016x32xf32, #tpu.memory_space<hbm>>
      tpu.wait_indirect_dma semaphore(%arg15 : memref<!tpu.dma_semaphore, #tpu.memory_space<semaphore_mem>>) src(%dma_wait3A_216 : memref<10016x32xf32, #tpu.memory_space<hbm>>) dst(%arg9 : memref<125x32xf32, #tpu.memory_space<vmem>>)
      %add3A_217 = arith.constant 2 : i32
      %add3A_218 = arith.addi %mul3A_140, %add3A_217 : i32
      %dma_start3A_219 = arith.constant 0 : i32
      %dma_start3A_220 = tpu.memref_slice %arg6[%add3A_218, %dma_start3A_219] : memref<80x125xi32, #tpu.memory_space<vmem>> -> memref<1x125xi32, #tpu.memory_space<vmem>>
      %dma_start3A_221 = tpu.memref_squeeze %dma_start3A_220 : memref<1x125xi32, #tpu.memory_space<vmem>> -> memref<125xi32, #tpu.memory_space<vmem>>
      %dma_start3A_222 = arith.constant 0 : i32
      %dma_start3A_223 = arith.constant 0 : i32
      %dma_start3A_224 = tpu.memref_slice %arg12[%dma_start3A_222, %dma_start3A_223] : memref<10240x32xf32, #tpu.memory_space<vmem_shared>> -> memref<10240x32xf32, #tpu.memory_space<vmem_shared>>
      tpu.enqueue_indirect_dma source(%arg9 : memref<125x32xf32, #tpu.memory_space<vmem>>) target(%dma_start3A_224 : memref<10240x32xf32, #tpu.memory_space<vmem_shared>>) offsets(%dma_start3A_221 : memref<125xi32, #tpu.memory_space<vmem>>) semaphore(%arg19 : memref<!tpu.dma_semaphore, #tpu.memory_space<semaphore_mem>>) {add = true}
      %add3A_225 = arith.constant 2 : i32
      %add3A_226 = arith.addi %mul3A_140, %add3A_225 : i32
      %dma_wait3A_227 = arith.constant 0 : i32
      %dma_wait3A_228 = tpu.memref_slice %arg6[%add3A_226, %dma_wait3A_227] : memref<80x125xi32, #tpu.memory_space<vmem>> -> memref<1x125xi32, #tpu.memory_space<vmem>>
      %dma_wait3A_229 = tpu.memref_squeeze %dma_wait3A_228 : memref<1x125xi32, #tpu.memory_space<vmem>> -> memref<125xi32, #tpu.memory_space<vmem>>
      %dma_wait3A_230 = arith.constant 0 : i32
      %dma_wait3A_231 = arith.constant 0 : i32
      %dma_wait3A_232 = tpu.memref_slice %arg12[%dma_wait3A_230, %dma_wait3A_231] : memref<10240x32xf32, #tpu.memory_space<vmem_shared>> -> memref<10240x32xf32, #tpu.memory_space<vmem_shared>>
      tpu.wait_indirect_dma semaphore(%arg19 : memref<!tpu.dma_semaphore, #tpu.memory_space<semaphore_mem>>) src(%arg9 : memref<125x32xf32, #tpu.memory_space<vmem>>) dst(%dma_wait3A_232 : memref<10240x32xf32, #tpu.memory_space<vmem_shared>>)
      %add3A_233 = arith.constant 4 : i32
      %add3A_234 = arith.addi %mul3A_140, %add3A_233 : i32
      %add3A_235 = arith.constant 2 : i32
      %add3A_236 = arith.addi %add3A_234, %add3A_235 : i32
      %dma_start3A_237 = arith.constant 0 : i32
      %dma_start3A_238 = tpu.memref_slice %arg5[%add3A_236, %dma_start3A_237] : memref<80x125xi32, #tpu.memory_space<vmem>> -> memref<1x125xi32, #tpu.memory_space<vmem>>
      %dma_start3A_239 = tpu.memref_squeeze %dma_start3A_238 : memref<1x125xi32, #tpu.memory_space<vmem>> -> memref<125xi32, #tpu.memory_space<vmem>>
      %dma_start3A_240 = arith.constant 0 : i32
      %dma_start3A_241 = arith.constant 0 : i32
      %dma_start3A_242 = tpu.memref_slice %arg3[%dma_start3A_240, %dma_start3A_241] : memref<10016x32xf32, #tpu.memory_space<hbm>> -> memref<10016x32xf32, #tpu.memory_space<hbm>>
      tpu.enqueue_indirect_dma source(%dma_start3A_242 : memref<10016x32xf32, #tpu.memory_space<hbm>>) target(%arg9 : memref<125x32xf32, #tpu.memory_space<vmem>>) offsets(%dma_start3A_239 : memref<125xi32, #tpu.memory_space<vmem>>) semaphore(%arg15 : memref<!tpu.dma_semaphore, #tpu.memory_space<semaphore_mem>>)
      %add3A_243 = arith.constant 3 : i32
      %add3A_244 = arith.addi %mul3A_140, %add3A_243 : i32
      %dma_wait3A_245 = arith.constant 0 : i32
      %dma_wait3A_246 = tpu.memref_slice %arg5[%add3A_244, %dma_wait3A_245] : memref<80x125xi32, #tpu.memory_space<vmem>> -> memref<1x125xi32, #tpu.memory_space<vmem>>
      %dma_wait3A_247 = tpu.memref_squeeze %dma_wait3A_246 : memref<1x125xi32, #tpu.memory_space<vmem>> -> memref<125xi32, #tpu.memory_space<vmem>>
      %dma_wait3A_248 = arith.constant 0 : i32
      %dma_wait3A_249 = arith.constant 0 : i32
      %dma_wait3A_250 = tpu.memref_slice %arg3[%dma_wait3A_248, %dma_wait3A_249] : memref<10016x32xf32, #tpu.memory_space<hbm>> -> memref<10016x32xf32, #tpu.memory_space<hbm>>
      tpu.wait_indirect_dma semaphore(%arg16 : memref<!tpu.dma_semaphore, #tpu.memory_space<semaphore_mem>>) src(%dma_wait3A_250 : memref<10016x32xf32, #tpu.memory_space<hbm>>) dst(%arg10 : memref<125x32xf32, #tpu.memory_space<vmem>>)
      %add3A_251 = arith.constant 3 : i32
      %add3A_252 = arith.addi %mul3A_140, %add3A_251 : i32
      %dma_start3A_253 = arith.constant 0 : i32
      %dma_start3A_254 = tpu.memref_slice %arg6[%add3A_252, %dma_start3A_253] : memref<80x125xi32, #tpu.memory_space<vmem>> -> memref<1x125xi32, #tpu.memory_space<vmem>>
      %dma_start3A_255 = tpu.memref_squeeze %dma_start3A_254 : memref<1x125xi32, #tpu.memory_space<vmem>> -> memref<125xi32, #tpu.memory_space<vmem>>
      %dma_start3A_256 = arith.constant 0 : i32
      %dma_start3A_257 = arith.constant 0 : i32
      %dma_start3A_258 = tpu.memref_slice %arg12[%dma_start3A_256, %dma_start3A_257] : memref<10240x32xf32, #tpu.memory_space<vmem_shared>> -> memref<10240x32xf32, #tpu.memory_space<vmem_shared>>
      tpu.enqueue_indirect_dma source(%arg10 : memref<125x32xf32, #tpu.memory_space<vmem>>) target(%dma_start3A_258 : memref<10240x32xf32, #tpu.memory_space<vmem_shared>>) offsets(%dma_start3A_255 : memref<125xi32, #tpu.memory_space<vmem>>) semaphore(%arg20 : memref<!tpu.dma_semaphore, #tpu.memory_space<semaphore_mem>>) {add = true}
      %add3A_259 = arith.constant 3 : i32
      %add3A_260 = arith.addi %mul3A_140, %add3A_259 : i32
      %dma_wait3A_261 = arith.constant 0 : i32
      %dma_wait3A_262 = tpu.memref_slice %arg6[%add3A_260, %dma_wait3A_261] : memref<80x125xi32, #tpu.memory_space<vmem>> -> memref<1x125xi32, #tpu.memory_space<vmem>>
      %dma_wait3A_263 = tpu.memref_squeeze %dma_wait3A_262 : memref<1x125xi32, #tpu.memory_space<vmem>> -> memref<125xi32, #tpu.memory_space<vmem>>
      %dma_wait3A_264 = arith.constant 0 : i32
      %dma_wait3A_265 = arith.constant 0 : i32
      %dma_wait3A_266 = tpu.memref_slice %arg12[%dma_wait3A_264, %dma_wait3A_265] : memref<10240x32xf32, #tpu.memory_space<vmem_shared>> -> memref<10240x32xf32, #tpu.memory_space<vmem_shared>>
      tpu.wait_indirect_dma semaphore(%arg20 : memref<!tpu.dma_semaphore, #tpu.memory_space<semaphore_mem>>) src(%arg10 : memref<125x32xf32, #tpu.memory_space<vmem>>) dst(%dma_wait3A_266 : memref<10240x32xf32, #tpu.memory_space<vmem_shared>>)
      %add3A_267 = arith.constant 4 : i32
      %add3A_268 = arith.addi %mul3A_140, %add3A_267 : i32
      %add3A_269 = arith.constant 3 : i32
      %add3A_270 = arith.addi %add3A_268, %add3A_269 : i32
      %dma_start3A_271 = arith.constant 0 : i32
      %dma_start3A_272 = tpu.memref_slice %arg5[%add3A_270, %dma_start3A_271] : memref<80x125xi32, #tpu.memory_space<vmem>> -> memref<1x125xi32, #tpu.memory_space<vmem>>
      %dma_start3A_273 = tpu.memref_squeeze %dma_start3A_272 : memref<1x125xi32, #tpu.memory_space<vmem>> -> memref<125xi32, #tpu.memory_space<vmem>>
      %dma_start3A_274 = arith.constant 0 : i32
      %dma_start3A_275 = arith.constant 0 : i32
      %dma_start3A_276 = tpu.memref_slice %arg3[%dma_start3A_274, %dma_start3A_275] : memref<10016x32xf32, #tpu.memory_space<hbm>> -> memref<10016x32xf32, #tpu.memory_space<hbm>>
      tpu.enqueue_indirect_dma source(%dma_start3A_276 : memref<10016x32xf32, #tpu.memory_space<hbm>>) target(%arg10 : memref<125x32xf32, #tpu.memory_space<vmem>>) offsets(%dma_start3A_273 : memref<125xi32, #tpu.memory_space<vmem>>) semaphore(%arg16 : memref<!tpu.dma_semaphore, #tpu.memory_space<semaphore_mem>>)
    }
    %scan3A_46 = arith.constant 19 : i32
    %dma_wait3A = arith.constant 76 : i32
    %dma_wait3A_47 = arith.constant 0 : i32
    %dma_wait3A_48 = tpu.memref_slice %arg5[%dma_wait3A, %dma_wait3A_47] : memref<80x125xi32, #tpu.memory_space<vmem>> -> memref<1x125xi32, #tpu.memory_space<vmem>>
    %dma_wait3A_49 = tpu.memref_squeeze %dma_wait3A_48 : memref<1x125xi32, #tpu.memory_space<vmem>> -> memref<125xi32, #tpu.memory_space<vmem>>
    %dma_wait3A_50 = arith.constant 0 : i32
    %dma_wait3A_51 = arith.constant 0 : i32
    %dma_wait3A_52 = tpu.memref_slice %arg3[%dma_wait3A_50, %dma_wait3A_51] : memref<10016x32xf32, #tpu.memory_space<hbm>> -> memref<10016x32xf32, #tpu.memory_space<hbm>>
    tpu.wait_indirect_dma semaphore(%arg13 : memref<!tpu.dma_semaphore, #tpu.memory_space<semaphore_mem>>) src(%dma_wait3A_52 : memref<10016x32xf32, #tpu.memory_space<hbm>>) dst(%arg7 : memref<125x32xf32, #tpu.memory_space<vmem>>)
    %dma_start3A_53 = arith.constant 76 : i32
    %dma_start3A_54 = arith.constant 0 : i32
    %dma_start3A_55 = tpu.memref_slice %arg6[%dma_start3A_53, %dma_start3A_54] : memref<80x125xi32, #tpu.memory_space<vmem>> -> memref<1x125xi32, #tpu.memory_space<vmem>>
    %dma_start3A_56 = tpu.memref_squeeze %dma_start3A_55 : memref<1x125xi32, #tpu.memory_space<vmem>> -> memref<125xi32, #tpu.memory_space<vmem>>
    %dma_start3A_57 = arith.constant 0 : i32
    %dma_start3A_58 = arith.constant 0 : i32
    %dma_start3A_59 = tpu.memref_slice %arg12[%dma_start3A_57, %dma_start3A_58] : memref<10240x32xf32, #tpu.memory_space<vmem_shared>> -> memref<10240x32xf32, #tpu.memory_space<vmem_shared>>
    tpu.enqueue_indirect_dma source(%arg7 : memref<125x32xf32, #tpu.memory_space<vmem>>) target(%dma_start3A_59 : memref<10240x32xf32, #tpu.memory_space<vmem_shared>>) offsets(%dma_start3A_56 : memref<125xi32, #tpu.memory_space<vmem>>) semaphore(%arg17 : memref<!tpu.dma_semaphore, #tpu.memory_space<semaphore_mem>>) {add = true}
    %dma_wait3A_60 = arith.constant 76 : i32
    %dma_wait3A_61 = arith.constant 0 : i32
    %dma_wait3A_62 = tpu.memref_slice %arg6[%dma_wait3A_60, %dma_wait3A_61] : memref<80x125xi32, #tpu.memory_space<vmem>> -> memref<1x125xi32, #tpu.memory_space<vmem>>
    %dma_wait3A_63 = tpu.memref_squeeze %dma_wait3A_62 : memref<1x125xi32, #tpu.memory_space<vmem>> -> memref<125xi32, #tpu.memory_space<vmem>>
    %dma_wait3A_64 = arith.constant 0 : i32
    %dma_wait3A_65 = arith.constant 0 : i32
    %dma_wait3A_66 = tpu.memref_slice %arg12[%dma_wait3A_64, %dma_wait3A_65] : memref<10240x32xf32, #tpu.memory_space<vmem_shared>> -> memref<10240x32xf32, #tpu.memory_space<vmem_shared>>
    tpu.wait_indirect_dma semaphore(%arg17 : memref<!tpu.dma_semaphore, #tpu.memory_space<semaphore_mem>>) src(%arg7 : memref<125x32xf32, #tpu.memory_space<vmem>>) dst(%dma_wait3A_66 : memref<10240x32xf32, #tpu.memory_space<vmem_shared>>)
    %dma_wait3A_67 = arith.constant 77 : i32
    %dma_wait3A_68 = arith.constant 0 : i32
    %dma_wait3A_69 = tpu.memref_slice %arg5[%dma_wait3A_67, %dma_wait3A_68] : memref<80x125xi32, #tpu.memory_space<vmem>> -> memref<1x125xi32, #tpu.memory_space<vmem>>
    %dma_wait3A_70 = tpu.memref_squeeze %dma_wait3A_69 : memref<1x125xi32, #tpu.memory_space<vmem>> -> memref<125xi32, #tpu.memory_space<vmem>>
    %dma_wait3A_71 = arith.constant 0 : i32
    %dma_wait3A_72 = arith.constant 0 : i32
    %dma_wait3A_73 = tpu.memref_slice %arg3[%dma_wait3A_71, %dma_wait3A_72] : memref<10016x32xf32, #tpu.memory_space<hbm>> -> memref<10016x32xf32, #tpu.memory_space<hbm>>
    tpu.wait_indirect_dma semaphore(%arg14 : memref<!tpu.dma_semaphore, #tpu.memory_space<semaphore_mem>>) src(%dma_wait3A_73 : memref<10016x32xf32, #tpu.memory_space<hbm>>) dst(%arg8 : memref<125x32xf32, #tpu.memory_space<vmem>>)
    %dma_start3A_74 = arith.constant 77 : i32
    %dma_start3A_75 = arith.constant 0 : i32
    %dma_start3A_76 = tpu.memref_slice %arg6[%dma_start3A_74, %dma_start3A_75] : memref<80x125xi32, #tpu.memory_space<vmem>> -> memref<1x125xi32, #tpu.memory_space<vmem>>
    %dma_start3A_77 = tpu.memref_squeeze %dma_start3A_76 : memref<1x125xi32, #tpu.memory_space<vmem>> -> memref<125xi32, #tpu.memory_space<vmem>>
    %dma_start3A_78 = arith.constant 0 : i32
    %dma_start3A_79 = arith.constant 0 : i32
    %dma_start3A_80 = tpu.memref_slice %arg12[%dma_start3A_78, %dma_start3A_79] : memref<10240x32xf32, #tpu.memory_space<vmem_shared>> -> memref<10240x32xf32, #tpu.memory_space<vmem_shared>>
    tpu.enqueue_indirect_dma source(%arg8 : memref<125x32xf32, #tpu.memory_space<vmem>>) target(%dma_start3A_80 : memref<10240x32xf32, #tpu.memory_space<vmem_shared>>) offsets(%dma_start3A_77 : memref<125xi32, #tpu.memory_space<vmem>>) semaphore(%arg18 : memref<!tpu.dma_semaphore, #tpu.memory_space<semaphore_mem>>) {add = true}
    %dma_wait3A_81 = arith.constant 77 : i32
    %dma_wait3A_82 = arith.constant 0 : i32
    %dma_wait3A_83 = tpu.memref_slice %arg6[%dma_wait3A_81, %dma_wait3A_82] : memref<80x125xi32, #tpu.memory_space<vmem>> -> memref<1x125xi32, #tpu.memory_space<vmem>>
    %dma_wait3A_84 = tpu.memref_squeeze %dma_wait3A_83 : memref<1x125xi32, #tpu.memory_space<vmem>> -> memref<125xi32, #tpu.memory_space<vmem>>
    %dma_wait3A_85 = arith.constant 0 : i32
    %dma_wait3A_86 = arith.constant 0 : i32
    %dma_wait3A_87 = tpu.memref_slice %arg12[%dma_wait3A_85, %dma_wait3A_86] : memref<10240x32xf32, #tpu.memory_space<vmem_shared>> -> memref<10240x32xf32, #tpu.memory_space<vmem_shared>>
    tpu.wait_indirect_dma semaphore(%arg18 : memref<!tpu.dma_semaphore, #tpu.memory_space<semaphore_mem>>) src(%arg8 : memref<125x32xf32, #tpu.memory_space<vmem>>) dst(%dma_wait3A_87 : memref<10240x32xf32, #tpu.memory_space<vmem_shared>>)
    %dma_wait3A_88 = arith.constant 78 : i32
    %dma_wait3A_89 = arith.constant 0 : i32
    %dma_wait3A_90 = tpu.memref_slice %arg5[%dma_wait3A_88, %dma_wait3A_89] : memref<80x125xi32, #tpu.memory_space<vmem>> -> memref<1x125xi32, #tpu.memory_space<vmem>>
    %dma_wait3A_91 = tpu.memref_squeeze %dma_wait3A_90 : memref<1x125xi32, #tpu.memory_space<vmem>> -> memref<125xi32, #tpu.memory_space<vmem>>
    %dma_wait3A_92 = arith.constant 0 : i32
    %dma_wait3A_93 = arith.constant 0 : i32
    %dma_wait3A_94 = tpu.memref_slice %arg3[%dma_wait3A_92, %dma_wait3A_93] : memref<10016x32xf32, #tpu.memory_space<hbm>> -> memref<10016x32xf32, #tpu.memory_space<hbm>>
    tpu.wait_indirect_dma semaphore(%arg15 : memref<!tpu.dma_semaphore, #tpu.memory_space<semaphore_mem>>) src(%dma_wait3A_94 : memref<10016x32xf32, #tpu.memory_space<hbm>>) dst(%arg9 : memref<125x32xf32, #tpu.memory_space<vmem>>)
    %dma_start3A_95 = arith.constant 78 : i32
    %dma_start3A_96 = arith.constant 0 : i32
    %dma_start3A_97 = tpu.memref_slice %arg6[%dma_start3A_95, %dma_start3A_96] : memref<80x125xi32, #tpu.memory_space<vmem>> -> memref<1x125xi32, #tpu.memory_space<vmem>>
    %dma_start3A_98 = tpu.memref_squeeze %dma_start3A_97 : memref<1x125xi32, #tpu.memory_space<vmem>> -> memref<125xi32, #tpu.memory_space<vmem>>
    %dma_start3A_99 = arith.constant 0 : i32
    %dma_start3A_100 = arith.constant 0 : i32
    %dma_start3A_101 = tpu.memref_slice %arg12[%dma_start3A_99, %dma_start3A_100] : memref<10240x32xf32, #tpu.memory_space<vmem_shared>> -> memref<10240x32xf32, #tpu.memory_space<vmem_shared>>
    tpu.enqueue_indirect_dma source(%arg9 : memref<125x32xf32, #tpu.memory_space<vmem>>) target(%dma_start3A_101 : memref<10240x32xf32, #tpu.memory_space<vmem_shared>>) offsets(%dma_start3A_98 : memref<125xi32, #tpu.memory_space<vmem>>) semaphore(%arg19 : memref<!tpu.dma_semaphore, #tpu.memory_space<semaphore_mem>>) {add = true}
    %dma_wait3A_102 = arith.constant 78 : i32
    %dma_wait3A_103 = arith.constant 0 : i32
    %dma_wait3A_104 = tpu.memref_slice %arg6[%dma_wait3A_102, %dma_wait3A_103] : memref<80x125xi32, #tpu.memory_space<vmem>> -> memref<1x125xi32, #tpu.memory_space<vmem>>
    %dma_wait3A_105 = tpu.memref_squeeze %dma_wait3A_104 : memref<1x125xi32, #tpu.memory_space<vmem>> -> memref<125xi32, #tpu.memory_space<vmem>>
    %dma_wait3A_106 = arith.constant 0 : i32
    %dma_wait3A_107 = arith.constant 0 : i32
    %dma_wait3A_108 = tpu.memref_slice %arg12[%dma_wait3A_106, %dma_wait3A_107] : memref<10240x32xf32, #tpu.memory_space<vmem_shared>> -> memref<10240x32xf32, #tpu.memory_space<vmem_shared>>
    tpu.wait_indirect_dma semaphore(%arg19 : memref<!tpu.dma_semaphore, #tpu.memory_space<semaphore_mem>>) src(%arg9 : memref<125x32xf32, #tpu.memory_space<vmem>>) dst(%dma_wait3A_108 : memref<10240x32xf32, #tpu.memory_space<vmem_shared>>)
    %dma_wait3A_109 = arith.constant 79 : i32
    %dma_wait3A_110 = arith.constant 0 : i32
    %dma_wait3A_111 = tpu.memref_slice %arg5[%dma_wait3A_109, %dma_wait3A_110] : memref<80x125xi32, #tpu.memory_space<vmem>> -> memref<1x125xi32, #tpu.memory_space<vmem>>
    %dma_wait3A_112 = tpu.memref_squeeze %dma_wait3A_111 : memref<1x125xi32, #tpu.memory_space<vmem>> -> memref<125xi32, #tpu.memory_space<vmem>>
    %dma_wait3A_113 = arith.constant 0 : i32
    %dma_wait3A_114 = arith.constant 0 : i32
    %dma_wait3A_115 = tpu.memref_slice %arg3[%dma_wait3A_113, %dma_wait3A_114] : memref<10016x32xf32, #tpu.memory_space<hbm>> -> memref<10016x32xf32, #tpu.memory_space<hbm>>
    tpu.wait_indirect_dma semaphore(%arg16 : memref<!tpu.dma_semaphore, #tpu.memory_space<semaphore_mem>>) src(%dma_wait3A_115 : memref<10016x32xf32, #tpu.memory_space<hbm>>) dst(%arg10 : memref<125x32xf32, #tpu.memory_space<vmem>>)
    %dma_start3A_116 = arith.constant 79 : i32
    %dma_start3A_117 = arith.constant 0 : i32
    %dma_start3A_118 = tpu.memref_slice %arg6[%dma_start3A_116, %dma_start3A_117] : memref<80x125xi32, #tpu.memory_space<vmem>> -> memref<1x125xi32, #tpu.memory_space<vmem>>
    %dma_start3A_119 = tpu.memref_squeeze %dma_start3A_118 : memref<1x125xi32, #tpu.memory_space<vmem>> -> memref<125xi32, #tpu.memory_space<vmem>>
    %dma_start3A_120 = arith.constant 0 : i32
    %dma_start3A_121 = arith.constant 0 : i32
    %dma_start3A_122 = tpu.memref_slice %arg12[%dma_start3A_120, %dma_start3A_121] : memref<10240x32xf32, #tpu.memory_space<vmem_shared>> -> memref<10240x32xf32, #tpu.memory_space<vmem_shared>>
    tpu.enqueue_indirect_dma source(%arg10 : memref<125x32xf32, #tpu.memory_space<vmem>>) target(%dma_start3A_122 : memref<10240x32xf32, #tpu.memory_space<vmem_shared>>) offsets(%dma_start3A_119 : memref<125xi32, #tpu.memory_space<vmem>>) semaphore(%arg20 : memref<!tpu.dma_semaphore, #tpu.memory_space<semaphore_mem>>) {add = true}
    %dma_wait3A_123 = arith.constant 79 : i32
    %dma_wait3A_124 = arith.constant 0 : i32
    %dma_wait3A_125 = tpu.memref_slice %arg6[%dma_wait3A_123, %dma_wait3A_124] : memref<80x125xi32, #tpu.memory_space<vmem>> -> memref<1x125xi32, #tpu.memory_space<vmem>>
    %dma_wait3A_126 = tpu.memref_squeeze %dma_wait3A_125 : memref<1x125xi32, #tpu.memory_space<vmem>> -> memref<125xi32, #tpu.memory_space<vmem>>
    %dma_wait3A_127 = arith.constant 0 : i32
    %dma_wait3A_128 = arith.constant 0 : i32
    %dma_wait3A_129 = tpu.memref_slice %arg12[%dma_wait3A_127, %dma_wait3A_128] : memref<10240x32xf32, #tpu.memory_space<vmem_shared>> -> memref<10240x32xf32, #tpu.memory_space<vmem_shared>>
    tpu.wait_indirect_dma semaphore(%arg20 : memref<!tpu.dma_semaphore, #tpu.memory_space<semaphore_mem>>) src(%arg10 : memref<125x32xf32, #tpu.memory_space<vmem>>) dst(%dma_wait3A_129 : memref<10240x32xf32, #tpu.memory_space<vmem_shared>>)
    %barrier3A_130 = arith.constant 0 : index
    tpu.barrier barrier_id(%barrier3A_130)
    %mul3A_131 = arith.constant 640 : i32
    %mul3A_132 = arith.muli %arg1, %mul3A_131 : i32
    "tpu.region"() ({
      %run_scoped3A_138 = tpu.sem_alloc : memref<!tpu.dma_semaphore, #tpu.memory_space<semaphore_mem>>
      %dma_start3A_139 = arith.constant 0 : i32
      %dma_start3A_140 = tpu.memref_slice %arg12[%mul3A_132, %dma_start3A_139] : memref<10240x32xf32, #tpu.memory_space<vmem_shared>> -> memref<640x32xf32, #tpu.memory_space<vmem_shared>>
      %dma_start3A_141 = arith.constant 0 : i32
      %dma_start3A_142 = tpu.memref_slice %arg12[%mul3A_132, %dma_start3A_141] : memref<10240x32xf32, #tpu.memory_space<vmem_shared>> -> memref<640x32xf32, #tpu.memory_space<vmem_shared>>
      tpu.enqueue_dma source(%dma_start3A_142 : memref<640x32xf32, #tpu.memory_space<vmem_shared>>) target(%arg11 : memref<640x32xf32, #tpu.memory_space<vmem>>) target_semaphore(%run_scoped3A_138 : memref<!tpu.dma_semaphore, #tpu.memory_space<semaphore_mem>>)
      %dma_wait3A_143 = arith.constant 0 : i32
      %dma_wait3A_144 = tpu.memref_slice %arg12[%mul3A_132, %dma_wait3A_143] : memref<10240x32xf32, #tpu.memory_space<vmem_shared>> -> memref<640x32xf32, #tpu.memory_space<vmem_shared>>
      %dma_wait3A_145 = arith.constant 0 : i32
      %dma_wait3A_146 = tpu.memref_slice %arg12[%mul3A_132, %dma_wait3A_145] : memref<10240x32xf32, #tpu.memory_space<vmem_shared>> -> memref<640x32xf32, #tpu.memory_space<vmem_shared>>
      tpu.wait_dma2 semaphore(%run_scoped3A_138 : memref<!tpu.dma_semaphore, #tpu.memory_space<semaphore_mem>>) src(%dma_wait3A_146 : memref<640x32xf32, #tpu.memory_space<vmem_shared>>) dst(%arg11 : memref<640x32xf32, #tpu.memory_space<vmem>>)
      tpu.yield
    }) : () -> ()
    %mul3A_133 = arith.constant 10240 : i32
    %mul3A_134 = arith.muli %arg0, %mul3A_133 : i32
    %mul3A_135 = arith.constant 640 : i32
    %mul3A_136 = arith.muli %arg1, %mul3A_135 : i32
    %add3A_137 = arith.addi %mul3A_134, %mul3A_136 : i32
    "tpu.region"() ({
      %run_scoped3A_138 = tpu.sem_alloc : memref<!tpu.dma_semaphore, #tpu.memory_space<semaphore_mem>>
      %dma_start3A_139 = arith.constant 0 : i32
      %dma_start3A_140 = tpu.memref_slice %arg4[%add3A_137, %dma_start3A_139] : memref<20480x32xf32, #tpu.memory_space<hbm>> -> memref<640x32xf32, #tpu.memory_space<hbm>>
      %dma_start3A_141 = arith.constant 0 : i32
      %dma_start3A_142 = tpu.memref_slice %arg4[%add3A_137, %dma_start3A_141] : memref<20480x32xf32, #tpu.memory_space<hbm>> -> memref<640x32xf32, #tpu.memory_space<hbm>>
      tpu.enqueue_dma source(%arg11 : memref<640x32xf32, #tpu.memory_space<vmem>>) target(%dma_start3A_142 : memref<640x32xf32, #tpu.memory_space<hbm>>) target_semaphore(%run_scoped3A_138 : memref<!tpu.dma_semaphore, #tpu.memory_space<semaphore_mem>>)
      %dma_wait3A_143 = arith.constant 0 : i32
      %dma_wait3A_144 = tpu.memref_slice %arg4[%add3A_137, %dma_wait3A_143] : memref<20480x32xf32, #tpu.memory_space<hbm>> -> memref<640x32xf32, #tpu.memory_space<hbm>>
      %dma_wait3A_145 = arith.constant 0 : i32
      %dma_wait3A_146 = tpu.memref_slice %arg4[%add3A_137, %dma_wait3A_145] : memref<20480x32xf32, #tpu.memory_space<hbm>> -> memref<640x32xf32, #tpu.memory_space<hbm>>
      tpu.wait_dma2 semaphore(%run_scoped3A_138 : memref<!tpu.dma_semaphore, #tpu.memory_space<semaphore_mem>>) src(%arg11 : memref<640x32xf32, #tpu.memory_space<vmem>>) dst(%dma_wait3A_146 : memref<640x32xf32, #tpu.memory_space<hbm>>)
      tpu.yield
    }) : () -> ()
    return
  }
}

module attributes {stable_mosaic.version = 14 : i64} {
  func.func @_tbl_body(%arg0: i32, %arg1: memref<1x24x10000xf32, #tpu.memory_space<vmem>>, %arg2: memref<10016x32xf32, #tpu.memory_space<vmem>>) attributes {dimension_semantics = [#tpu.dimension_semantics<arbitrary>], iteration_bounds = array<i64: 1>, scalar_prefetch = 0 : i64, scratch_operands = 0 : i64, tpu.core_type = #tpu.core_type<tc>, window_params = [{transform_indices = @transform_0, window_bounds = array<i64: 1, 24, 10000>}, {pipeline_mode = #tpu.pipeline_mode<synchronous>, transform_indices = @transform_1, window_bounds = array<i64: 10016, 32>}]} {
    %get3A = arith.constant 0 : index
    %get3A_0 = arith.constant 0 : index
    %get3A_1 = arith.constant 0 : index
    %get3A_2 = vector.load %arg1[%get3A, %get3A_0, %get3A_1] : memref<1x24x10000xf32, #tpu.memory_space<vmem>>, vector<1x24x10000xf32>
    %get3A_3 = vector.shape_cast %get3A_2 : vector<1x24x10000xf32> to vector<24x10000xf32>
    %iota3A = tpu.iota {dimensions = array<i32: 0>} : vector<24x24xi32>
    %iota3A_4 = tpu.iota {dimensions = array<i32: 1>} : vector<24x24xi32>
    %add3A = arith.constant 0 : i32
    %add3A_5 = vector.broadcast %add3A : i32 to vector<24x24xi32>
    %add3A_6 = arith.addi %iota3A, %add3A_5 : vector<24x24xi32>
    %eq3A = arith.cmpi eq, %add3A_6, %iota3A_4 : vector<24x24xi32>
    %convert_element_type3A = arith.extui %eq3A : vector<24x24xi1> to vector<24x24xi32>
    %convert_element_type3A_7 = arith.sitofp %convert_element_type3A : vector<24x24xi32> to vector<24x24xf32>
    %dot_general3A = arith.constant dense<0.000000e+00> : vector<10000x24xf32>
    %dot_general3A_8 = tpu.matmul %get3A_3, %convert_element_type3A_7, %dot_general3A {dimension_numbers = #tpu.dot_dimension_numbers<[0], [0], [1], [1], [0, 1, 1, 1], [], []>, precision = #tpu.contract_precision<fp32>, transpose_lhs_hint = false} : vector<24x10000xf32>, vector<24x24xf32>, vector<10000x24xf32> -> vector<10000x24xf32>
    %broadcast_in_dim3A = arith.constant 1.000000e+00 : f32
    %broadcast_in_dim3A_9 = vector.broadcast %broadcast_in_dim3A : f32 to vector<10000x1xf32>
    %broadcast_in_dim3A_10 = arith.constant 0.000000e+00 : f32
    %broadcast_in_dim3A_11 = vector.broadcast %broadcast_in_dim3A_10 : f32 to vector<10000x7xf32>
    %concatenate3A = tpu.concatenate %dot_general3A_8, %broadcast_in_dim3A_9, %broadcast_in_dim3A_11 in 1 : vector<10000x24xf32>, vector<10000x1xf32>, vector<10000x7xf32> -> vector<10000x32xf32>
    %broadcast_in_dim3A_12 = arith.constant 0.000000e+00 : f32
    %broadcast_in_dim3A_13 = vector.broadcast %broadcast_in_dim3A_12 : f32 to vector<16x32xf32>
    %concatenate3A_14 = tpu.concatenate %concatenate3A, %broadcast_in_dim3A_13 in 0 : vector<10000x32xf32>, vector<16x32xf32> -> vector<10016x32xf32>
    %swap3A = arith.constant 0 : index
    %swap3A_15 = arith.constant 0 : index
    %swap3A_16 = vector.load %arg2[%swap3A, %swap3A_15] : memref<10016x32xf32, #tpu.memory_space<vmem>>, vector<10016x32xf32>
    tpu.vector_store %arg2[%swap3A, %swap3A_15], %concatenate3A_14 {strides = array<i32>} : memref<10016x32xf32, #tpu.memory_space<vmem>>, vector<10016x32xf32>,
    return
  }
  func.func @transform_0(%arg0: i32) -> (i32, i32, i32) {
    %c0_i32 = arith.constant 0 : i32
    %c0_i32_0 = arith.constant 0 : i32
    %c0_i32_1 = arith.constant 0 : i32
    %c0_i32_2 = arith.constant 0 : i32
    return %c0_i32, %c0_i32_0, %c0_i32_1 : i32, i32, i32
  }
  func.func @transform_1(%arg0: i32) -> (i32, i32) {
    %c0_i32 = arith.constant 0 : i32
    %c0_i32_0 = arith.constant 0 : i32
    %c0_i32_1 = arith.constant 0 : i32
    return %c0_i32, %c0_i32_0 : i32, i32
  }
}

module attributes {stable_mosaic.version = 14 : i64} {
  func.func @_fin_rest_body(%arg0: i32, %arg1: memref<1x24x10000xf32, #tpu.memory_space<vmem>>, %arg2: memref<1x1xf32, #tpu.memory_space<smem>>, %arg3: memref<1xf32, #tpu.memory_space<smem>>, %arg4: memref<1x24x10000xf32, #tpu.memory_space<vmem>>) attributes {dimension_semantics = [#tpu.dimension_semantics<arbitrary>], iteration_bounds = array<i64: 16>, scalar_prefetch = 0 : i64, scratch_operands = 0 : i64, tpu.core_type = #tpu.core_type<tc>, window_params = [{transform_indices = @transform_0, window_bounds = array<i64: 1, 24, 10000>}, {transform_indices = @transform_1, window_bounds = array<i64: 1, 1>}, {transform_indices = @transform_2, window_bounds = array<i64: 1>}, {transform_indices = @transform_3, window_bounds = array<i64: 1, 24, 10000>}]} {
    %get3A = arith.constant 0 : index
    %get3A_0 = arith.constant 0 : index
    %get3A_1 = arith.constant 0 : index
    %get3A_2 = vector.load %arg1[%get3A, %get3A_0, %get3A_1] : memref<1x24x10000xf32, #tpu.memory_space<vmem>>, vector<1x24x10000xf32>
    %get3A_3 = vector.shape_cast %get3A_2 : vector<1x24x10000xf32> to vector<24x10000xf32>
    %get3A_4 = arith.constant 0 : index
    %get3A_5 = arith.constant 0 : index
    %get3A_6 = memref.load %arg2[%get3A_4, %get3A_5] : memref<1x1xf32, #tpu.memory_space<smem>>
    %mul3A = vector.broadcast %get3A_6 : f32 to vector<24x10000xf32>
    %mul3A_7 = arith.mulf %get3A_3, %mul3A : vector<24x10000xf32>
    %get3A_8 = arith.constant 0 : index
    %get3A_9 = memref.load %arg3[%get3A_8] : memref<1xf32, #tpu.memory_space<smem>>
    %add3A = vector.broadcast %get3A_9 : f32 to vector<24x10000xf32>
    %add3A_10 = arith.addf %mul3A_7, %add3A : vector<24x10000xf32>
    %swap3A = arith.constant 0 : index
    %swap3A_11 = arith.constant 0 : index
    %swap3A_12 = arith.constant 0 : index
    %swap3A_13 = vector.load %arg4[%swap3A, %swap3A_11, %swap3A_12] : memref<1x24x10000xf32, #tpu.memory_space<vmem>>, vector<1x24x10000xf32>
    %swap3A_14 = vector.shape_cast %swap3A_13 : vector<1x24x10000xf32> to vector<24x10000xf32>
    %swap3A_15 = vector.shape_cast %add3A_10 : vector<24x10000xf32> to vector<1x24x10000xf32>
    tpu.vector_store %arg4[%swap3A, %swap3A_11, %swap3A_12], %swap3A_15 {strides = array<i32>} : memref<1x24x10000xf32, #tpu.memory_space<vmem>>, vector<1x24x10000xf32>,
    return
  }
  func.func @transform_0(%arg0: i32) -> (i32, i32, i32) {
    %c0_i32 = arith.constant 0 : i32
    %c0_i32_0 = arith.constant 0 : i32
    %c0_i32_1 = arith.constant 0 : i32
    return %arg0, %c0_i32, %c0_i32_0 : i32, i32, i32
  }
  func.func @transform_1(%arg0: i32) -> (i32, i32) {
    %c0_i32 = arith.constant 0 : i32
    %c0_i32_0 = arith.constant 0 : i32
    %c0_i32_1 = arith.constant 0 : i32
    return %c0_i32, %c0_i32_0 : i32, i32
  }
  func.func @transform_2(%arg0: i32) -> i32 {
    %c0_i32 = arith.constant 0 : i32
    %c0_i32_0 = arith.constant 0 : i32
    return %c0_i32 : i32
  }
  func.func @transform_3(%arg0: i32) -> (i32, i32, i32) {
    %c0_i32 = arith.constant 0 : i32
    %c0_i32_0 = arith.constant 0 : i32
    %c0_i32_1 = arith.constant 0 : i32
    return %arg0, %c0_i32, %c0_i32_0 : i32, i32, i32
  }
}

module attributes {stable_mosaic.version = 14 : i64} {
  func.func @_fin_b0_body(%arg0: i32, %arg1: memref<1x24x10000xf32, #tpu.memory_space<vmem>>, %arg2: memref<20480x32xf32, #tpu.memory_space<vmem>>, %arg3: memref<1x1xf32, #tpu.memory_space<smem>>, %arg4: memref<1x24x10000xf32, #tpu.memory_space<vmem>>) attributes {dimension_semantics = [#tpu.dimension_semantics<arbitrary>], iteration_bounds = array<i64: 1>, scalar_prefetch = 0 : i64, scratch_operands = 0 : i64, tpu.core_type = #tpu.core_type<tc>, window_params = [{transform_indices = @transform_0, window_bounds = array<i64: 1, 24, 10000>}, {pipeline_mode = #tpu.pipeline_mode<synchronous>, transform_indices = @transform_1, window_bounds = array<i64: 20480, 32>}, {transform_indices = @transform_2, window_bounds = array<i64: 1, 1>}, {transform_indices = @transform_3, window_bounds = array<i64: 1, 24, 10000>}]} {
    %get3A = arith.constant 0 : index
    %get3A_0 = arith.constant 0 : index
    %get3A_1 = vector.load %arg2[%get3A, %get3A_0] : memref<20480x32xf32, #tpu.memory_space<vmem>>, vector<20480x32xf32>
    %slice3A = vector.extract_strided_slice %get3A_1 {offsets = [0, 0], sizes = [10000, 32], strides = [1, 1]} : vector<20480x32xf32> to vector<10000x32xf32>
    %slice3A_2 = vector.extract_strided_slice %get3A_1 {offsets = [10240, 0], sizes = [10000, 32], strides = [1, 1]} : vector<20480x32xf32> to vector<10000x32xf32>
    %add3A = arith.addf %slice3A, %slice3A_2 : vector<10000x32xf32>
    %slice3A_3 = vector.extract_strided_slice %add3A {offsets = [0, 0], sizes = [10000, 24], strides = [1, 1]} : vector<10000x32xf32> to vector<10000x24xf32>
    %slice3A_4 = vector.extract_strided_slice %add3A {offsets = [0, 24], sizes = [10000, 1], strides = [1, 1]} : vector<10000x32xf32> to vector<10000x1xf32>
    %max3A = arith.constant 1.000000e+00 : f32
    %max3A_5 = vector.broadcast %max3A : f32 to vector<10000x1xf32>
    %max3A_6 = arith.maximumf %slice3A_4, %max3A_5 : vector<10000x1xf32>
    %div3A = vector.broadcast %max3A_6 : vector<10000x1xf32> to vector<10000x24xf32>
    %div3A_7 = arith.divf %slice3A_3, %div3A : vector<10000x24xf32>
    %iota3A = tpu.iota {dimensions = array<i32: 0>} : vector<24x24xi32>
    %iota3A_8 = tpu.iota {dimensions = array<i32: 1>} : vector<24x24xi32>
    %add3A_9 = arith.constant 0 : i32
    %add3A_10 = vector.broadcast %add3A_9 : i32 to vector<24x24xi32>
    %add3A_11 = arith.addi %iota3A, %add3A_10 : vector<24x24xi32>
    %eq3A = arith.cmpi eq, %add3A_11, %iota3A_8 : vector<24x24xi32>
    %convert_element_type3A = arith.extui %eq3A : vector<24x24xi1> to vector<24x24xi32>
    %convert_element_type3A_12 = arith.sitofp %convert_element_type3A : vector<24x24xi32> to vector<24x24xf32>
    %dot_general3A = arith.constant dense<0.000000e+00> : vector<24x10000xf32>
    %dot_general3A_13 = tpu.matmul %convert_element_type3A_12, %div3A_7, %dot_general3A {dimension_numbers = #tpu.dot_dimension_numbers<[1], [1], [0], [0], [0, 0, 1, 0], [], []>, precision = #tpu.contract_precision<fp32>, transpose_lhs_hint = false} : vector<24x24xf32>, vector<10000x24xf32>, vector<24x10000xf32> -> vector<24x10000xf32>
    %get3A_14 = arith.constant 0 : index
    %get3A_15 = arith.constant 0 : index
    %get3A_16 = arith.constant 0 : index
    %get3A_17 = vector.load %arg1[%get3A_14, %get3A_15, %get3A_16] : memref<1x24x10000xf32, #tpu.memory_space<vmem>>, vector<1x24x10000xf32>
    %get3A_18 = vector.shape_cast %get3A_17 : vector<1x24x10000xf32> to vector<24x10000xf32>
    %get3A_19 = arith.constant 0 : index
    %get3A_20 = arith.constant 0 : index
    %get3A_21 = memref.load %arg3[%get3A_19, %get3A_20] : memref<1x1xf32, #tpu.memory_space<smem>>
    %mul3A = vector.broadcast %get3A_21 : f32 to vector<24x10000xf32>
    %mul3A_22 = arith.mulf %mul3A, %dot_general3A_13 : vector<24x10000xf32>
    %add3A_23 = arith.addf %get3A_18, %mul3A_22 : vector<24x10000xf32>
    %swap3A = arith.constant 0 : index
    %swap3A_24 = arith.constant 0 : index
    %swap3A_25 = arith.constant 0 : index
    %swap3A_26 = vector.load %arg4[%swap3A, %swap3A_24, %swap3A_25] : memref<1x24x10000xf32, #tpu.memory_space<vmem>>, vector<1x24x10000xf32>
    %swap3A_27 = vector.shape_cast %swap3A_26 : vector<1x24x10000xf32> to vector<24x10000xf32>
    %swap3A_28 = vector.shape_cast %add3A_23 : vector<24x10000xf32> to vector<1x24x10000xf32>
    tpu.vector_store %arg4[%swap3A, %swap3A_24, %swap3A_25], %swap3A_28 {strides = array<i32>} : memref<1x24x10000xf32, #tpu.memory_space<vmem>>, vector<1x24x10000xf32>,
    return
  }
  func.func @transform_0(%arg0: i32) -> (i32, i32, i32) {
    %c0_i32 = arith.constant 0 : i32
    %c0_i32_0 = arith.constant 0 : i32
    %c0_i32_1 = arith.constant 0 : i32
    %c0_i32_2 = arith.constant 0 : i32
    return %c0_i32, %c0_i32_0, %c0_i32_1 : i32, i32, i32
  }
  func.func @transform_1(%arg0: i32) -> (i32, i32) {
    %c0_i32 = arith.constant 0 : i32
    %c0_i32_0 = arith.constant 0 : i32
    %c0_i32_1 = arith.constant 0 : i32
    return %c0_i32, %c0_i32_0 : i32, i32
  }
  func.func @transform_2(%arg0: i32) -> (i32, i32) {
    %c0_i32 = arith.constant 0 : i32
    %c0_i32_0 = arith.constant 0 : i32
    %c0_i32_1 = arith.constant 0 : i32
    return %c0_i32, %c0_i32_0 : i32, i32
  }
  func.func @transform_3(%arg0: i32) -> (i32, i32, i32) {
    %c0_i32 = arith.constant 0 : i32
    %c0_i32_0 = arith.constant 0 : i32
    %c0_i32_1 = arith.constant 0 : i32
    %c0_i32_2 = arith.constant 0 : i32
    return %c0_i32, %c0_i32_0, %c0_i32_1 : i32, i32, i32
  }
}

</mosaic_0001>

<sc_bundles>
// kernel: kernel.6.cloned.1.call-start
scs
__scs_entry_jumppad:
0x0: {  	(pc) =	sbr.rel $0x88, $3  }
0x1: {  	(tag) =	ssettag $0x0;
	lr =	simm.s32 $0x1  }
0x2: {  	[smem:$0x3F9C] =	sst lr;
	_ =	strace $0xD0000000  }
0x3: {  	_ = 	snop  }
0x4: {  	_ = 	snop  }
0x5: {  	_ = 	snop  }
0x6: {  	_ = 	snop  }
0x7: {  	_ = 	snop  }
__scs_overlays_trampoline_lowered:
0x8: {  	[smem:$0x3FAB] =	sst s0  }
0x9: {  	[smem:$0x3FAC] =	sst s1  }
0xa: {  	[smem:$0x3FAD] =	sst s2  }
0xb: {  	[smem:$0x3FAE] =	sst s3  }
0xc: {  	[smem:$0x3FAF] =	sst s4  }
0xd: {  	[smem:$0x3FB0] =	sst s5  }
0xe: {  	[smem:$0x3FB1] =	sst s6  }
0xf: {  	[smem:$0x3FB2] =	sst s7  }
0x10: {  	[smem:$0x3FB3] =	sst s8  }
0x11: {  	[smem:$0x3FB4] =	sst s9;
	s0 =	simm.s32 @!p0 $0x0  }
0x12: {  	s1 =	sld [smem:$0x3F9A];
	s0 =	simm.s32 @p0 $0x1  }
0x13: {  	[smem:$0x3FB5] =	sst s0;
	s0 =	simm.s32 @!p1 $0x0  }
0x14: {  	s2 =	sld [smem:$0x3F99];
	s0 =	simm.s32 @p1 $0x1  }
0x15: {  	[smem:$0x3FB6] =	sst s0;
	s0 =	simm.s32 @!p2 $0x0  }
0x16: {  	s3 =	sld [smem:$0x3FDB];
	s0 =	simm.s32 @p2 $0x1  }
0x17: {  	s4 =	simm.s32 $0x1BF5;
	[smem:$0x3FB8] =	sst s0  }
0x18: {  	s0 =	sld [smem:$0x3F9B];
	_ =	swait.ge [sflag:s4], $0x0  }
0x19: {  	s7 =	sld [smem:$0x3F9C]  }
0x1a: {  	s8 =	sadd.s32 $0xFFFFE003, lr  }
0x1b: {  	s9 =	sadd.s32 $0xFFFFFEF7, lr;
	s5 =	simm.s32 $0xFFFFFFFF;
	p2 =	slt.u32 s8, $0xFFFFF086  }
0x1c: {  	p1 =	slt.u32 s9, $0xF7A;
	s5 =	simm.s32 @!p2 $0x0  }
0x1d: {  	s5 =	simm.s32 @p1 $0x1;
	p0 =	seq.s32 s7, s2  }
0x1e: {  	s7 =	smul.u32 @!p0 $0xF7A, s2;
	p2 =	seq.s32 @!p0 s5, $0x0  }
0x1f: {  	s9 =	smul.u32 $0xF7A, s1;
	s8 =	simm.s32 @!p0 $0x1BF5;
	p2 =	por !p2, p0  }
0x20: {  	[sflag:s8] =	ssyncset.s32 @!p0 $0xFFFFF086;
	s6 =	sadd.s32 @!p0 s3, s7;
	s7 =	simm.s32 @!p0 $0x108  }
0x21: {  	s3 =	sadd.s32 s3, s9;
	s6 =	sadd.s32 @!p0 $0x88, s6;
	s7 =	simm.s32 @p2 $0x1082  }
0x22: {  	[simem:s7], [sflag:s8] =	dma.local @!p0 [hbm:s6], $0xF7A  }
0x23: {  	s9 =	sor.u32 $0xD0000000, s2;
	s6 =	simm.s32 $0x108;
	_ =	swait.ge @!p0 [sflag:s8], $0x0  }
0x24: {  	s3 =	sadd.s32 $0x88, s3;
	s6 =	simm.s32 @!p1 $0x1082;
	[sflag:s4] =	ssyncset.s32 $0xFFFFF086  }
0x25: {  	[simem:s6], [sflag:s4] =	dma.local [hbm:s3], $0xF7A  }
0x26: {  	[smem:$0x3F9C] =	sst s1;
	(tag) =	ssettag s2;
	_ =	strace s9  }
0x27: {  	s1 =	sld [smem:$0x3FAC]  }
0x28: {  	s2 =	sld [smem:$0x3FAD]  }
0x29: {  	s4 =	sld [smem:$0x3FAF]  }
0x2a: {  	p0 =	seq.s32 s5, $0x0;
	s5 =	sld [smem:$0x3FB0]  }
0x2b: {  	s6 =	sld [smem:$0x3FB1]  }
0x2c: {  	s7 =	sld [smem:$0x3FB2]  }
0x2d: {  	s3 =	simm.s32 $0x108;
	s8 =	sld [smem:$0x3FB3]  }
0x2e: {  	s3 =	simm.s32 @!p0 $0x1082;
	s9 =	sld [smem:$0x3FB4]  }
0x2f: {  	lr =	sadd.s32 s0, s3;
	s0 =	sld [smem:$0x3FAB]  }
0x30: {  	s3 =	sld [smem:$0x3FAE]  }
0x31: {  	[smem:$0x3FB7] =	sst s10  }
0x32: {  	s10 =	sld [smem:$0x3FB5];
	_ =	sdelay $0x3  }
0x33: {  	p0 =	seq.s32 s10, $0x1;
	s10 =	sld [smem:$0x3FB7];
	_ =	sdelay $0x3  }
0x34: {  	[smem:$0x3FB7] =	sst s10  }
0x35: {  	s10 =	sld [smem:$0x3FB6];
	_ =	sdelay $0x3  }
0x36: {  	p1 =	seq.s32 s10, $0x1;
	s10 =	sld [smem:$0x3FB7];
	_ =	sdelay $0x3  }
0x37: {  	[smem:$0x3FB7] =	sst s10  }
0x38: {  	s10 =	sld [smem:$0x3FB8]  }
0x39: {  	_ = 	snop;
	(pc) =	sbr.ind lr, $3  }
0x3a: {  	_ = 	snop  }
0x3b: {  	_ = 	snop  }
0x3c: {  	p2 =	seq.s32 s10, $0x1;
	s10 =	sld [smem:$0x3FB7]  }
0x3d: {  	_ =	shalt  }
0x3e: {  	_ =	shalt  }
0x3f: {  	_ =	shalt  }
0x40: {  	_ =	shalt  }
0x41: {  	_ =	shalt  }
0x42: {  	_ =	shalt  }
0x43: {  	_ =	shalt  }
0x44: {  	_ =	shalt  }
0x45: {  	_ =	shalt  }
0x46: {  	_ =	shalt  }
0x47: {  	_ =	shalt  }
0x48: {  	_ =	shalt  }
0x49: {  	_ =	shalt  }
0x4a: {  	_ =	shalt  }
0x4b: {  	_ =	shalt  }
0x4c: {  	_ =	shalt  }
0x4d: {  	_ =	shalt  }
0x4e: {  	_ =	shalt  }
0x4f: {  	_ =	shalt  }
0x50: {  	_ =	shalt  }
0x51: {  	_ =	shalt  }
0x52: {  	_ =	shalt  }
0x53: {  	_ =	shalt  }
0x54: {  	_ =	shalt  }
0x55: {  	_ =	shalt  }
0x56: {  	_ =	shalt  }
0x57: {  	_ =	shalt  }
0x58: {  	_ =	shalt  }
0x59: {  	_ =	shalt  }
0x5a: {  	_ =	shalt  }
0x5b: {  	_ =	shalt  }
0x5c: {  	_ =	shalt  }
0x5d: {  	_ =	shalt  }
0x5e: {  	_ =	shalt  }
0x5f: {  	_ =	shalt  }
0x60: {  	_ =	shalt  }
0x61: {  	_ =	shalt  }
0x62: {  	_ =	shalt  }
0x63: {  	_ =	shalt  }
0x64: {  	_ =	shalt  }
0x65: {  	_ =	shalt  }
0x66: {  	_ =	shalt  }
0x67: {  	_ =	shalt  }
0x68: {  	_ =	shalt  }
0x69: {  	_ =	shalt  }
0x6a: {  	_ =	shalt  }
0x6b: {  	_ =	shalt  }
0x6c: {  	_ =	shalt  }
0x6d: {  	_ =	shalt  }
0x6e: {  	_ =	shalt  }
0x6f: {  	_ =	shalt  }
0x70: {  	_ =	shalt  }
0x71: {  	_ =	shalt  }
0x72: {  	_ =	shalt  }
0x73: {  	_ =	shalt  }
0x74: {  	_ =	shalt  }
0x75: {  	_ =	shalt  }
0x76: {  	_ =	shalt  }
0x77: {  	_ =	shalt  }
0x78: {  	_ =	shalt  }
0x79: {  	_ =	shalt  }
0x7a: {  	_ =	shalt  }
0x7b: {  	_ =	shalt  }
0x7c: {  	_ =	shalt  }
0x7d: {  	_ =	shalt  }
0x7e: {  	_ =	shalt  }
0x7f: {  	_ =	shalt  }
0x80: {  	_ =	shalt  }
0x81: {  	_ =	shalt  }
0x82: {  	_ =	shalt  }
0x83: {  	_ =	shalt  }
0x84: {  	_ =	shalt  }
0x85: {  	_ =	shalt  }
0x86: {  	_ =	shalt  }
0x87: {  	_ =	shalt  }
.Lfunc_end0:
.L_simem_size_0:
called_computation_lowered:
.L_overlay_start_0:
0x88: {  	s2 =	sld [smem:$0x3FD9]  }
0x89: {  	s3 =	sld [smem:$0x3FFE];
	_ =	sdelay $0x1  }
0x8a: {  	s1 =	srdreg.scid  }
0x8b: {  	s0 =	sand.u32 $0x1, s1  }
0x8c: {  	s16 =	sshll.u32 s0, $0xA;
	s2 =	sadd.s32 s3, s2  }
0x8d: {  	s2 =	sadd.s32 s2, s16  }
0x8e: {  	[smem:$0x3FC3] =	sst s2  }
0x8f: {  	_ = 	snop  }
0x90: {  	(tm) =	ssettm $0x1  }
0x91: {  	s17 =	sld [smem:$0x3FFB];
	_ =	sdelay $0x3  }
0x92: {  	_ =	strace s17  }
0x93: {  	s2 =	sld [smem:$0x3FFC];
	_ =	sdelay $0x3  }
0x94: {  	_ =	strace s2  }
0x95: {  	s2 =	sld [smem:$0x3FFD];
	_ =	sdelay $0x3  }
0x96: {  	_ =	strace s2  }
0x97: {  	_ =	strace $0x8FFFFFFF  }
0x98: {  	s18 =	sld [smem:$0x3FDB];
	_ =	sdelay $0x1  }
0x99: {  	s19 =	simm.s32 $_scs_section_size  }
0x9a: {  	s4 =	simm.s32 $_size__tile_overlayer_lowered;
	s5 =	simm.s32 $_tile_overlayer_lowered  }
0x9b: {  	s22 =	simm.s32 $0x1BFF;
	s21 =	sshll.u32 s5, $0x1;
	s2 =	sadd.s32 s19, s18  }
0x9c: {  	s6 =	simm.s32 $0x0;
	s20 =	sshll.u32 s4, $0x1;
	s4 =	sadd.s32 s21, s2  }
0x9d: {  	[timem:s6], [sflag:s22] =	dma.local [hbm:s4], s20  }
0x9e: {  	_ =	swait.ge [sflag:s22], s20  }
0x9f: {  	s3 =	ssub.s32 $0x0, s20;
	[sflag:s22] =	ssyncset.done $0x0  }
0xa0: {  	[sflag:s22] =	ssyncadd.s32 s3;
	_ =	sdelay $0x1  }
0xa1: {  	s23 =	simm.s32 $0x1B8B  }
0xa2: {  	_ =	swait.ge [sflag:s23], $0x1  }
0xa3: {  	[sflag:s23] =	ssyncset.done $0x0  }
0xa4: {  	s25 =	simm.s32 $0x1B8E;
	s24 =	sld [smem:$0x3FFE];
	[sflag:s23] =	ssyncadd.s32 $0xFFFFFFFF  }
0xa5: {  	s26 =	simm.s32 $execute0_lowered;
	[smem:$0x3FD2] =	sst s25  }
0xa6: {  	s4 =	sshll.u32 s26, $0x1;
	_ =	strace $0x80000046;
	[dreg:$0x1] =	wrdreg $0xFFFFFFFF  }
0xa7: {  	s28 =	simm.s32 $_size_execute0_lowered;
	s2 =	sadd.s32 s2, s4;
	[dreg:$0x0] =	wrdreg $0x0  }
0xa8: {  	s4 =	sshll.u32 s28, $0x1;
	[dreg:$0x2] =	wrdreg s2  }
0xa9: {  	[dreg:$0x3] =	wrdreg s4  }
0xaa: {  	[dreg:$0x4] =	wrdreg $0xC0  }
0xab: {  	_ =	task [dreg:s6], $0x5FFFF  }
0xac: {  	[dreg:$0x1] =	wrdreg $0xFFFFFFFF  }
0xad: {  	[dreg:$0x0] =	wrdreg $0x60  }
0xae: {  	[dreg:$0x2] =	wrdreg s24  }
0xaf: {  	[dreg:$0x3] =	wrdreg $0xDE800  }
0xb0: {  	[dreg:$0x4] =	wrdreg $0x9  }
0xb1: {  	_ =	task.clear_ibuf [dreg:s6], $0x5FFFF;
	_ =	strace $0x90000046  }
0xb2: {  	s29 =	simm.s32 $0x9;
	_ =	strace $0x80000048  }
0xb3: {  	_ =	swait.ge [sflag:s29], $0x1  }
0xb4: {  	[sflag:s29] =	ssyncadd.s32 $0xFFFFFFFF  }
0xb5: {  	_ =	strace $0x90000048  }
0xb6: {  	_ =	sfence  }
0xb7: {  	s30 =	sld [smem:$0x0];
	_ =	sdelay $0x2  }
0xb8: {  	s31 =	sshll.u32 s1, $0xD;
	s1 =	sshrl.u32 s1, $0x2  }
0xb9: {  	s3 =	sand.u32 $0x4000, s31;
	s1 =	sadd.s32 s1, s30  }
0xba: {  	s0 =	sor.u32 s3, s0;
	s1 =	sshll.u32 s1, $0x11  }
0xbb: {  	s0 =	sor.u32 s1, s0  }
0xbc: {  	s0 =	sadd.s32 $0x8F2B, s0  }
0xbd: {  	[sflag:s0] =	ssyncadd.remote.s32 $0x1  }
0xbe: {  	_ =	sfence.sel $0xFFFF  }
0xbf: {  	[dreg:$0x0] =	wrdreg $0xFFFFFFFF;
	(pc) =	sbr.abs _section_cstart, $3  }
0xc0: {  	[dreg:$0x1] =	wrdreg $0xFFFFFFFF  }
0xc1: {  	_ =	task.clear_ibuf [dreg:s6], $0x2FFFF;
	_ =	strace $0x9FFFFFFF  }
0xc2: {  	(tm) =	ssettm $0x7FFFFFFF  }
0xc3: {  	_ =	shalt  }
tec
execute0_lowered:
.L_overlay_start_1:
0x0: {  	(tag) =	ssettag $0x1  }
0x1: {  	s0 =	srdreg.scid;
	s3 =	rddreg [dreg:$0x0]  }
0x2: {  	s4 =	stileid.u32;
	s2 =	rddreg [dreg:$0x1]  }
0x3: {  	s6 =	simm.s32 $0x0;
	s10 =	simm.s32 $0x8E80;
	s11 =	simm.s32 $0x9  }
0x4: {  	s13 =	simm.s32 $0x7D;
	s14 =	simm.s32 $0x5000;
	s16 =	simm.s32 $0x5FA0  }
0x5: {  	s18 =	simm.s32 $0x6F40;
	s19 =	simm.s32 $0x180;
	s20 =	simm.s32 $0x7EE0  }
0x6: {  	s21 =	simm.s32 $0x1;
	s22 =	simm.s32 $0x5;
	s23 =	simm.s32 $0x2  }
0x7: {  	s28 =	simm.s32 $0x4;
	s29 =	simm.s32 $0x8;
	s30 =	simm.s32 $0x4E00  }
0x8: {  	s31 =	simm.s32 $0x4E80;
	s0 =	sand.u32 $0x1, s0;
	s5 =	smul.u32 $0xA00, s4  }
0x9: {  	s1 =	sshll.u32 s4, $0x1;
	[smem:$0x7FF] =	sst s6;
	s7 =	smul.u32 $0x14000, s4  }
0xa: {  	s4 =	sadd.s32 $0x600, s3;
	s1 =	sor.u32 s0, s1;
	s24 =	smul.u32 $0xA000, s0  }
0xb: {  	_ =	strace $0x80000047;
	s0 =	ssub.s32 $0x2, s0;
	s1 =	smul.u32 $0x2800, s1  }
0xc: {  	s25 =	sshrl.u32 s0, $0x1;
	s26 =	sshrl.u32 s7, $0x2;
	s5 =	sadd.s32 s5, s24  }
0xd: {  	s0 =	ssub.s32 s0, s25;
	s24 =	simm.s32 $0x6;
	s25 =	simm.s32 $0x3  }
0xe: {  	s1 =	sshrl.u32 s1, $0x3;
	s9 =	smax.u32 s0, $0x1;
	s0 =	simm.s32 $0x4F80  }
0xf: {  	s1 =	sadd.s32 s1, s3;
	s3 =	sadd.s32 s5, s3;
	s5 =	sadd.s32 s26, s2  }
0x10: {  	s26 =	simm.s32 $0x7;
	s6 =	sadd.s32 $0xA400, s1;
	s7 =	sadd.s32 $0x14400, s1  }
0x11: {  	v0 =	vimm.f32 $0.0e+00;
	s8 =	sadd.s32 $0x1E400, s3;
	s1 =	simm.s32 $0x4F00;
	s3 =	simm.s32 $0x0  }
.LBB2_1:
0x12: {  	s12 =	simm.s32 $0x80;
	s15 =	simm.s32 $0x0  }
.LBB2_2:
0x13: {  	p0 =	sne.s32 s12, $0x13F80;
	[tilespmem:s15+$0x8E80] =	vst v0;
	s17 =	smov.u32 s12;
	s12 =	sadd.s32 $0x80, s12  }
.Ltmp0:
0x14: {  	[tilespmem:s15+$0x8E90] =	vst v0;
	(pc) =	sbr.rel @p0 .LBB2_2-.Ltmp0, $2  }
0x15: {  	_ =	sdelay $0x2  }
0x16: {  	s15 =	sshra.s32 s17, $0x2  }
0x17: {  	[tilespmem:s15+$0x8E80] =	vst v0  }
0x18: {  	[tilespmem:s15+$0x8E90] =	vst v0  }
0x19: {  	[spmem:s5] =	stream.linear.scatter [tilespmem:s10], [sflag:$0x9], $0x5000, $0x38;
	[tilespmem:$0x12E80] =	vst v63  }
0x1a: {  	_ =	swait.ge [sflag:s11], $0x5000  }
0x1b: {  	[sflag:s11] =	ssyncset.done $0x0  }
0x1c: {  	s12 =	simm.s32 $0x0;
	[sflag:s11] =	ssyncadd.s32 $0xFFFFB000  }
0x1d: {  	[tilespmem:s12], [sflag:$0x9] =	stream.linear.gather [hbm4b:s6+s12], $0x2800, $0x38;
	[tilespmem:$0x12E80] =	vst v63  }
0x1e: {  	_ =	swait.ge [sflag:s11], $0x2800  }
0x1f: {  	[sflag:s11] =	ssyncset.done $0x0  }
0x20: {  	s17 =	simm.s32 $0x2800;
	[sflag:s11] =	ssyncadd.s32 $0xFFFFD800  }
0x21: {  	[tilespmem:s17], [sflag:$0x9] =	stream.linear.gather [hbm4b:s7+s12], $0x2800, $0x38;
	[tilespmem:$0x12E80] =	vst v63  }
0x22: {  	_ =	swait.ge [sflag:s11], $0x2800  }
0x23: {  	[sflag:s11] =	ssyncset.done $0x0  }
0x24: {  	[sflag:s11] =	ssyncadd.s32 $0xFFFFD800  }
0x25: {  	[bflag:$0x0] =	sbarrier.arrive $0xFFFF  }
0x26: {  	[tilespmem:s14], [sflag:$0x1] =	stream.indirect.gather [hbm4b:s4+s13], $0x20, s12, s13, $0xb8;
	[tilespmem:$0x12E80] =	vst v63  }
0x27: {  	s17 =	simm.s32 $0x80  }
0x28: {  	[tilespmem:s16], [sflag:$0x2] =	stream.indirect.gather [hbm4b:s4+s13], $0x20, s17, s13, $0xb8;
	[tilespmem:$0x12E80] =	vst v63  }
0x29: {  	s15 =	simm.s32 $0x100  }
0x2a: {  	[tilespmem:s18], [sflag:$0x3] =	stream.indirect.gather [hbm4b:s4+s13], $0x20, s15, s13, $0xb8;
	[tilespmem:$0x12E80] =	vst v63  }
0x2b: {  	_ = 	snop  }
0x2c: {  	[tilespmem:s20], [sflag:$0x4] =	stream.indirect.gather [hbm4b:s4+s13], $0x20, s19, s13, $0xb8;
	[tilespmem:$0x12E80] =	vst v63  }
0x2d: {  	_ =	swait.ge [sflag:s21], $0xFA0  }
0x2e: {  	[sflag:s21] =	ssyncset.done $0x0  }
0x2f: {  	s17 =	simm.s32 $0x2800;
	[sflag:s21] =	ssyncadd.s32 $0xFFFFF060  }
0x30: {  	[spmem:s2] =	stream.indirect.scatter.add.f32 [tilespmem:s14], [sflag:$0x5], $0x20, s17, s13, $0xb8;
	[tilespmem:$0x12E80] =	vst v63  }
0x31: {  	_ =	swait.ge [sflag:s22], $0xFA0  }
0x32: {  	[sflag:s22] =	ssyncset.done $0x0  }
0x33: {  	s15 =	simm.s32 $0x200;
	[sflag:s22] =	ssyncadd.s32 $0xFFFFF060  }
0x34: {  	[tilespmem:s14], [sflag:$0x1] =	stream.indirect.gather [hbm4b:s4+s13], $0x20, s15, s13, $0xb8;
	[tilespmem:$0x12E80] =	vst v63  }
0x35: {  	_ =	swait.ge [sflag:s23], $0xFA0  }
0x36: {  	[sflag:s23] =	ssyncset.done $0x0  }
0x37: {  	s17 =	simm.s32 $0x2880;
	[sflag:s23] =	ssyncadd.s32 $0xFFFFF060  }
0x38: {  	[spmem:s2] =	stream.indirect.scatter.add.f32 [tilespmem:s16], [sflag:$0x6], $0x20, s17, s13, $0xb8;
	[tilespmem:$0x12E80] =	vst v63  }
0x39: {  	_ =	swait.ge [sflag:s24], $0xFA0  }
0x3a: {  	[sflag:s24] =	ssyncset.done $0x0  }
0x3b: {  	s15 =	simm.s32 $0x280;
	[sflag:s24] =	ssyncadd.s32 $0xFFFFF060  }
0x3c: {  	[tilespmem:s16], [sflag:$0x2] =	stream.indirect.gather [hbm4b:s4+s13], $0x20, s15, s13, $0xb8;
	[tilespmem:$0x12E80] =	vst v63  }
0x3d: {  	_ =	swait.ge [sflag:s25], $0xFA0  }
0x3e: {  	[sflag:s25] =	ssyncset.done $0x0  }
0x3f: {  	s17 =	simm.s32 $0x2900;
	[sflag:s25] =	ssyncadd.s32 $0xFFFFF060  }
0x40: {  	[spmem:s2] =	stream.indirect.scatter.add.f32 [tilespmem:s18], [sflag:$0x7], $0x20, s17, s13, $0xb8;
	[tilespmem:$0x12E80] =	vst v63  }
0x41: {  	_ =	swait.ge [sflag:s26], $0xFA0  }
0x42: {  	[sflag:s26] =	ssyncset.done $0x0  }
0x43: {  	s15 =	simm.s32 $0x300;
	[sflag:s26] =	ssyncadd.s32 $0xFFFFF060  }
0x44: {  	[tilespmem:s18], [sflag:$0x3] =	stream.indirect.gather [hbm4b:s4+s13], $0x20, s15, s13, $0xb8;
	[tilespmem:$0x12E80] =	vst v63  }
0x45: {  	_ =	swait.ge [sflag:s28], $0xFA0  }
0x46: {  	[sflag:s28] =	ssyncset.done $0x0  }
0x47: {  	s17 =	simm.s32 $0x2980;
	[sflag:s28] =	ssyncadd.s32 $0xFFFFF060  }
0x48: {  	[spmem:s2] =	stream.indirect.scatter.add.f32 [tilespmem:s20], [sflag:$0x8], $0x20, s17, s13, $0xb8;
	[tilespmem:$0x12E80] =	vst v63  }
0x49: {  	_ =	swait.ge [sflag:s29], $0xFA0  }
0x4a: {  	[sflag:s29] =	ssyncset.done $0x0  }
0x4b: {  	s12 =	simm.s32 $0x800;
	s15 =	simm.s32 $0x380;
	[sflag:s29] =	ssyncadd.s32 $0xFFFFF060  }
.LBB2_4:
0x4c: {  	[tilespmem:s20], [sflag:$0x4] =	stream.indirect.gather [hbm4b:s4+s13], $0x20, s15, s13, $0xb8;
	[tilespmem:$0x12E80] =	vst v63  }
0x4d: {  	s15 =	smov.u32 s12  }
0x4e: {  	p0 =	sne.s32 s12, $0x9000;
	s12 =	sadd.s32 $0x800, s12;
	_ =	swait.ge [sflag:s21], $0xFA0  }
0x4f: {  	s15 =	sshra.s32 s15, $0x2;
	[sflag:s21] =	ssyncset.done $0x0  }
0x50: {  	s17 =	sadd.s32 $0x2800, s15;
	[sflag:s21] =	ssyncadd.s32 $0xFFFFF060  }
0x51: {  	[spmem:s2] =	stream.indirect.scatter.add.f32 [tilespmem:s14], [sflag:$0x5], $0x20, s17, s13, $0xb8;
	[tilespmem:$0x12E80] =	vst v63  }
0x52: {  	_ =	swait.ge [sflag:s22], $0xFA0  }
0x53: {  	[sflag:s22] =	ssyncset.done $0x0  }
0x54: {  	s17 =	sadd.s32 $0x200, s15;
	[sflag:s22] =	ssyncadd.s32 $0xFFFFF060  }
0x55: {  	[tilespmem:s14], [sflag:$0x1] =	stream.indirect.gather [hbm4b:s4+s13], $0x20, s17, s13, $0xb8;
	[tilespmem:$0x12E80] =	vst v63  }
0x56: {  	_ =	swait.ge [sflag:s23], $0xFA0  }
0x57: {  	[sflag:s23] =	ssyncset.done $0x0  }
0x58: {  	s17 =	sadd.s32 $0x2880, s15;
	[sflag:s23] =	ssyncadd.s32 $0xFFFFF060  }
0x59: {  	[spmem:s2] =	stream.indirect.scatter.add.f32 [tilespmem:s16], [sflag:$0x6], $0x20, s17, s13, $0xb8;
	[tilespmem:$0x12E80] =	vst v63  }
0x5a: {  	_ =	swait.ge [sflag:s24], $0xFA0  }
0x5b: {  	[sflag:s24] =	ssyncset.done $0x0  }
0x5c: {  	s17 =	sadd.s32 $0x280, s15;
	[sflag:s24] =	ssyncadd.s32 $0xFFFFF060  }
0x5d: {  	[tilespmem:s16], [sflag:$0x2] =	stream.indirect.gather [hbm4b:s4+s13], $0x20, s17, s13, $0xb8;
	[tilespmem:$0x12E80] =	vst v63  }
0x5e: {  	_ =	swait.ge [sflag:s25], $0xFA0  }
0x5f: {  	[sflag:s25] =	ssyncset.done $0x0  }
0x60: {  	s17 =	sadd.s32 $0x2900, s15;
	[sflag:s25] =	ssyncadd.s32 $0xFFFFF060  }
0x61: {  	[spmem:s2] =	stream.indirect.scatter.add.f32 [tilespmem:s18], [sflag:$0x7], $0x20, s17, s13, $0xb8;
	[tilespmem:$0x12E80] =	vst v63  }
0x62: {  	_ =	swait.ge [sflag:s26], $0xFA0  }
0x63: {  	[sflag:s26] =	ssyncset.done $0x0  }
0x64: {  	s17 =	sadd.s32 $0x300, s15;
	[sflag:s26] =	ssyncadd.s32 $0xFFFFF060  }
0x65: {  	[tilespmem:s18], [sflag:$0x3] =	stream.indirect.gather [hbm4b:s4+s13], $0x20, s17, s13, $0xb8;
	[tilespmem:$0x12E80] =	vst v63  }
0x66: {  	_ =	swait.ge [sflag:s28], $0xFA0  }
0x67: {  	[sflag:s28] =	ssyncset.done $0x0  }
.Ltmp1:
0x68: {  	s17 =	sadd.s32 $0x2980, s15;
	[sflag:s28] =	ssyncadd.s32 $0xFFFFF060;
	(pc) =	sbr.rel @p0 .LBB2_4-.Ltmp1, $4  }
0x69: {  	[spmem:s2] =	stream.indirect.scatter.add.f32 [tilespmem:s20], [sflag:$0x8], $0x20, s17, s13, $0xb8;
	[tilespmem:$0x12E80] =	vst v63  }
0x6a: {  	_ =	swait.ge [sflag:s29], $0xFA0  }
0x6b: {  	[sflag:s29] =	ssyncset.done $0x0  }
0x6c: {  	s15 =	sadd.s32 $0x380, s15;
	[sflag:s29] =	ssyncadd.s32 $0xFFFFF060  }
0x6d: {  	[tilespmem:s20], [sflag:$0x4] =	stream.indirect.gather [hbm4b:s4+s13], $0x20, s15, s13, $0xb8;
	[tilespmem:$0x12E80] =	vst v63  }
0x6e: {  	_ =	swait.ge [sflag:s21], $0xFA0  }
0x6f: {  	[sflag:s21] =	ssyncset.done $0x0  }
0x70: {  	[sflag:s21] =	ssyncadd.s32 $0xFFFFF060  }
0x71: {  	[spmem:s2] =	stream.indirect.scatter.add.f32 [tilespmem:s14], [sflag:$0x5], $0x20, s30, s13, $0xb8;
	[tilespmem:$0x12E80] =	vst v63  }
0x72: {  	_ =	swait.ge [sflag:s22], $0xFA0  }
0x73: {  	[sflag:s22] =	ssyncset.done $0x0  }
0x74: {  	[sflag:s22] =	ssyncadd.s32 $0xFFFFF060  }
0x75: {  	_ =	swait.ge [sflag:s23], $0xFA0  }
0x76: {  	[sflag:s23] =	ssyncset.done $0x0  }
0x77: {  	[sflag:s23] =	ssyncadd.s32 $0xFFFFF060  }
0x78: {  	[spmem:s2] =	stream.indirect.scatter.add.f32 [tilespmem:s16], [sflag:$0x6], $0x20, s31, s13, $0xb8;
	[tilespmem:$0x12E80] =	vst v63  }
0x79: {  	_ =	swait.ge [sflag:s24], $0xFA0  }
0x7a: {  	[sflag:s24] =	ssyncset.done $0x0  }
0x7b: {  	[sflag:s24] =	ssyncadd.s32 $0xFFFFF060  }
0x7c: {  	_ =	swait.ge [sflag:s25], $0xFA0  }
0x7d: {  	[sflag:s25] =	ssyncset.done $0x0  }
0x7e: {  	[sflag:s25] =	ssyncadd.s32 $0xFFFFF060  }
0x7f: {  	[spmem:s2] =	stream.indirect.scatter.add.f32 [tilespmem:s18], [sflag:$0x7], $0x20, s1, s13, $0xb8;
	[tilespmem:$0x12E80] =	vst v63  }
0x80: {  	_ =	swait.ge [sflag:s26], $0xFA0  }
0x81: {  	[sflag:s26] =	ssyncset.done $0x0  }
0x82: {  	[sflag:s26] =	ssyncadd.s32 $0xFFFFF060  }
0x83: {  	_ =	swait.ge [sflag:s28], $0xFA0  }
0x84: {  	[sflag:s28] =	ssyncset.done $0x0  }
0x85: {  	[sflag:s28] =	ssyncadd.s32 $0xFFFFF060  }
0x86: {  	[spmem:s2] =	stream.indirect.scatter.add.f32 [tilespmem:s20], [sflag:$0x8], $0x20, s0, s13, $0xb8;
	[tilespmem:$0x12E80] =	vst v63  }
0x87: {  	_ =	swait.ge [sflag:s29], $0xFA0  }
0x88: {  	[sflag:s29] =	ssyncset.done $0x0  }
0x89: {  	[sflag:s29] =	ssyncadd.s32 $0xFFFFF060  }
0x8a: {  	[bflag:$0x0] =	sbarrier.arrive $0xFFFF  }
0x8b: {  	[tilespmem:s10], [sflag:$0x9] =	stream.linear.gather [spmem:s5], $0x5000, $0x38;
	[tilespmem:$0x12E80] =	vst v63  }
0x8c: {  	s3 =	sadd.s32 $0x1, s3;
	_ =	swait.ge [sflag:s11], $0x5000  }
0x8d: {  	p0 =	sne.s32 s3, s9;
	[sflag:s11] =	ssyncset.done $0x0  }
.Ltmp2:
0x8e: {  	s12 =	simm.s32 $0x0;
	[sflag:s11] =	ssyncadd.s32 $0xFFFFB000;
	(pc) =	sbr.rel @p0 .LBB2_1-.Ltmp2, $4  }
0x8f: {  	[hbm4b:s8+s12] =	stream.linear.scatter [tilespmem:s10], [sflag:$0x9], $0x5000, $0x38;
	[tilespmem:$0x12E80] =	vst v63  }
0x90: {  	_ =	swait.ge [sflag:s11], $0x5000  }
0x91: {  	[sflag:s11] =	ssyncset.done $0x0  }
0x92: {  	[sflag:s11] =	ssyncadd.s32 $0xFFFFB000  }
0x93: {  	_ =	sfence.sel $0x180000  }
0x94: {  	[bflag:$0x0] =	sbarrier.arrive $0xFFFF  }
0x95: {  	_ =	strace $0x90000047  }
0x96: {  	s0 =	stileid.u32;
	[bflag:$0x2] =	sbarrier.arrive $0xFFFF  }
0x97: {  	p0 =	sne.s32 s0, $0x0;
	s0 =	rddreg [dreg:$0x2]  }
0x98: {  	s0 =	sadd.s32 @!p0 $0x100000, s0  }
0x99: {  	[sflag:s0] =	ssyncadd.tile.s32 @!p0 $0x1;
	_ =	shalt  }
.Lfunc_end2:
_tile_overlayer_lowered:
.L_overlay_start_2:
0x9a: {  	(tag) =	ssettag $0x2  }
0x9b: {  	s0 =	rddreg [dreg:$0x0];
	s2 =	stileid.u32  }
0x9c: {  	s1 =	rddreg [dreg:$0x1];
	p0 =	sne.s32 s2, $0x0  }
0x9d: {  	s3 =	rddreg [dreg:$0x2];
	[bflag:$0x3] =	sbarrier.arrive $0xFFFF;
	s2 =	simm.s32 @!p0 $0x1C09  }
0x9e: {  	[timem:s3], [sflag:s2] =	dma.local @!p0 [hbm:s0], s1  }
0x9f: {  	s0 =	simm.s32 @!p0 $0x9  }
0xa0: {  	_ =	swait.ge @!p0 [sflag:s0], s1  }
0xa1: {  	s1 =	ssub.s32 @!p0 $0x0, s1;
	[sflag:s0] =	ssyncset.done @!p0 $0x0  }
0xa2: {  	[sflag:s0] =	ssyncadd.s32 @!p0 s1  }
0xa3: {  	[bflag:$0x3] =	sbarrier.arrive $0xFFFF  }
0xa4: {  	_ =	shalt  }

</sc_bundles>
